<compile_context>
chip_gen: v7x
topology: tpu7x:2x2x1
jax: 0.10.2.dev20260603
libtpu: 0.0.44.dev20260713+nightly
codegen_flags: <defaults>
</compile_context>

<pallas_src>
import functools

import jax
import jax.numpy as jnp
from jax import lax
from jax.experimental import pallas as pl
from jax.experimental.pallas import tpu as pltpu
from jax.experimental.pallas import tpu_sc as plsc

D = 128
T = 125
V = 29
B = 4096
NC, NS, L = 2, 16, 16
NW = NC * NS
R = B * T
RW = R // NW
C = 128
NG = RW // C
NB = 5
LB = 12


def _prep_body(zeo_ref, syn_ref, pe_ref, char_ref, te_ref,
               table_ref, zeo_out_ref, syn_out_ref):
    te2 = te_ref[2, :]
    table_ref[...] = (char_ref[...][:, None, :]
                      + pe_ref[...][None, :, :]
                      + te2[None, None, :])
    zeo_out_ref[...] = zeo_ref[...] + te_ref[0, :][None, :]
    syn_out_ref[...] = syn_ref[...] + te_ref[1, :][None, :]


_prep = pl.pallas_call(
    _prep_body,
    out_shape=(
        jax.ShapeDtypeStruct((V, T, D), jnp.float32),
        jax.ShapeDtypeStruct((B, D), jnp.float32),
        jax.ShapeDtypeStruct((B, D), jnp.float32),
    ),
)


def _sc_body(table_hbm, seq_hbm, out_hbm, tab_sh, seq_v, idx_v, rows_v,
             sem_g, sem_s):
    sid = lax.axis_index("s")
    wid = sid * NC + lax.axis_index("c")
    base = pl.multiple_of(wid * RW, 8)

    @pl.when(sid == 0)
    def _stage():
        pltpu.sync_copy(table_hbm, tab_sh)

    pltpu.sync_copy(seq_hbm.at[pl.ds(base, RW)], seq_v)
    plsc.subcore_barrier()

    lanes = lax.iota(jnp.int32, L)

    def _idx_for(g, slot):
        for j in range(C // L):
            r = base + g * C + j * L + lanes
            s = seq_v[pl.ds(g * C + j * L, L)]
            idx_v[slot, pl.ds(j * L, L)] = s * T + lax.shift_right_logical(
                r, LB)

    def _slot(b):
        return rows_v.at[pl.ds(b * C, C), :]

    GROUPS = ((0, 2), (2, 2), (4, 1))

    def _group(s0, n):
        return rows_v.at[pl.ds(s0 * C, n * C), :]

    def _outer(go, carry):
        gdescs = []
        for gi, (s0, n) in enumerate(GROUPS):
            @pl.when(go > 0)
            def _drain(s0=s0, n=n, gi=gi):
                pltpu.make_async_copy(
                    _group(s0, n), out_hbm.at[pl.ds(0, n * C), :],
                    sem_s[gi]).wait()

            for b in range(s0, s0 + n):
                _idx_for(go * NB + b, b)
                gdescs.append(
                    pltpu.async_copy(tab_sh.at[idx_v.at[b]], _slot(b),
                                     sem_g[b]))
        for gi, (s0, n) in enumerate(GROUPS):
            for b in range(s0, s0 + n):
                gdescs[b].wait()
            row0 = pl.multiple_of(base + (go * NB + s0) * C, 8)
            pltpu.async_copy(_group(s0, n),
                             out_hbm.at[pl.ds(row0, n * C), :], sem_s[gi])
        return carry

    lax.fori_loop(0, NG // NB, _outer, 0)
    for gi, (s0, n) in enumerate(GROUPS):
        pltpu.make_async_copy(
            _group(s0, n), out_hbm.at[pl.ds(0, n * C), :], sem_s[gi]).wait()


@functools.cache
def _sc_gather():
    mesh = plsc.VectorSubcoreMesh(
        core_axis_name="c", subcore_axis_name="s",
        num_cores=NC, num_subcores=NS)
    return pl.kernel(
        _sc_body,
        out_type=jax.ShapeDtypeStruct((R, D), jnp.float32),
        mesh=mesh,
        scratch_types=[
            pltpu.VMEM_SHARED((V * T, D), jnp.float32),
            pltpu.VMEM((RW,), jnp.int32),
            pltpu.VMEM((NB, C), jnp.int32),
            pltpu.VMEM((NB * C, D), jnp.float32),
            [pltpu.SemaphoreType.DMA] * NB,
            [pltpu.SemaphoreType.DMA] * NB,
        ],
    )


def kernel(zeo, syn, smis_seq, pe, char_embed_w, type_embed_w):
    b, t = smis_seq.shape
    d = zeo.shape[-1]
    table, zeo_e, syn_e = _prep(
        zeo.reshape(b, d), syn.reshape(b, d), pe.reshape(t, d),
        char_embed_w, type_embed_w)
    seq_t = smis_seq.T.reshape(R)
    out_flat = _sc_gather()(table.reshape(V * T, D), seq_t)
    return (out_flat.reshape(t, b, d).transpose(1, 0, 2),
            zeo_e.reshape(b, 1, d),
            syn_e.reshape(b, 1, d))

# --- scband reference (transcript-rebuilt; emitter-appended) ---
"""Pipeline reference for scband-embedding-layer-40913858461865 (READ-ONLY COPY).

The authoritative reference and input builder live on the scoring server;
editing this copy changes nothing except your own understanding.
"""

import jax, jax.numpy as jnp
import numpy as np
import math

D_MODEL = 128
CHARLEN = 29
PE_LEN = 125


def _build_pe():
    pe = np.empty((PE_LEN, D_MODEL), dtype=np.float32)
    for i in range(PE_LEN):
        for j in range(D_MODEL):
            fenmu = 10000.0 ** (j / D_MODEL)
            v = i / fenmu
            pe[i, j] = math.sin(v) if j % 2 == 0 else math.cos(v)
    return jnp.asarray(pe)[None, :, :]  # [1, 125, 128]


def setup_inputs(seed: int = 0) -> dict:
    key = jax.random.key(seed)
    k1, k2, k3, k4, k5 = jax.random.split(key, 5)
    b = 4096
    zeo = jax.random.normal(k1, (b, 1, D_MODEL), dtype=jnp.float32)
    syn = jax.random.normal(k2, (b, 1, D_MODEL), dtype=jnp.float32)
    smis_seq = jax.random.randint(k3, (b, PE_LEN), 0, CHARLEN, dtype=jnp.int32)
    char_embed_w = jax.random.normal(k4, (CHARLEN, D_MODEL), dtype=jnp.float32) * 0.1
    type_embed_w = jax.random.normal(k5, (3, D_MODEL), dtype=jnp.float32) * 0.1
    pe = _build_pe()
    return {
        "zeo": zeo,
        "syn": syn,
        "smis_seq": smis_seq,
        "pe": pe,
        "char_embed_w": char_embed_w,
        "type_embed_w": type_embed_w,
    }


def reference(zeo, syn, smis_seq, pe, char_embed_w, type_embed_w):
    b, t = smis_seq.shape
    zeo_idx = jnp.zeros((b, 1), dtype=jnp.int32)
    syn_idx = jnp.ones((b, 1), dtype=jnp.int32)
    smis_type_idx = jnp.full((b, t), 2, dtype=jnp.int32)

    zeo_te = jnp.take(type_embed_w, zeo_idx, axis=0)        # [b, 1, d]
    syn_te = jnp.take(type_embed_w, syn_idx, axis=0)        # [b, 1, d]
    smis_seq_te = jnp.take(type_embed_w, smis_type_idx, axis=0)  # [b, t, d]
    smis_seq_ce = jnp.take(char_embed_w, smis_seq, axis=0)  # [b, t, d]

    smis_seq_embed = smis_seq_ce + pe + smis_seq_te
    zeo_embed = zeo + zeo_te
    syn_embed = syn + syn_te
    return (smis_seq_embed, zeo_embed, syn_embed)

if __name__ == "__main__":
    import jax
    _d = setup_inputs()
    print(jax.jit(kernel)(*tuple(_d.values())))

</pallas_src>

<mosaic_0001>
#map = affine_map<(d0, d1) -> (0, 0)>
#map1 = affine_map<(d0, d1) -> (0)>
module attributes {stable_mosaic.version = 14 : i64} {
  func.func @_sc_body(%arg0: i32, %arg1: i32, %arg2: memref<3625x128xf32, #tpu.memory_space<hbm>>, %arg3: memref<512000xi32, #tpu.memory_space<hbm>>, %arg4: memref<512000x128xf32, #tpu.memory_space<hbm>>, %arg5: memref<3625x128xf32, #tpu.memory_space<vmem_shared>>, %arg6: memref<16000xi32, #tpu.memory_space<vmem>>, %arg7: memref<5x128xi32, #tpu.memory_space<vmem>>, %arg8: memref<640x128xf32, #tpu.memory_space<vmem>>, %arg9: memref<!tpu.dma_semaphore, #tpu.memory_space<semaphore_mem>>, %arg10: memref<!tpu.dma_semaphore, #tpu.memory_space<semaphore_mem>>, %arg11: memref<!tpu.dma_semaphore, #tpu.memory_space<semaphore_mem>>, %arg12: memref<!tpu.dma_semaphore, #tpu.memory_space<semaphore_mem>>, %arg13: memref<!tpu.dma_semaphore, #tpu.memory_space<semaphore_mem>>, %arg14: memref<!tpu.dma_semaphore, #tpu.memory_space<semaphore_mem>>, %arg15: memref<!tpu.dma_semaphore, #tpu.memory_space<semaphore_mem>>, %arg16: memref<!tpu.dma_semaphore, #tpu.memory_space<semaphore_mem>>, %arg17: memref<!tpu.dma_semaphore, #tpu.memory_space<semaphore_mem>>, %arg18: memref<!tpu.dma_semaphore, #tpu.memory_space<semaphore_mem>>) attributes {dimension_semantics = [#tpu.dimension_semantics<core_parallel>, #tpu.dimension_semantics<subcore_parallel>], iteration_bounds = array<i64: 2, 16>, scalar_prefetch = 0 : i64, scratch_operands = 14 : i64, tpu.core_type = #tpu.core_type<sc_vector_subcore>, window_params = [{transform_indices = #map}, {transform_indices = #map1}, {transform_indices = #map}]} {
    %mul3A = arith.constant 2 : i32
    %mul3A_0 = arith.muli %arg1, %mul3A : i32
    %add3A = arith.addi %mul3A_0, %arg0 : i32
    %mul3A_1 = arith.constant 16000 : i32
    %mul3A_2 = arith.muli %add3A, %mul3A_1 : i32
    %multiple_of3A = tpu.assume_multiple %mul3A_2, 8 : i32
    %eq3A = arith.constant 0 : i32
    %eq3A_3 = arith.cmpi eq, %arg1, %eq3A : i32
    %convert_element_type3A = arith.extui %eq3A_3 : i1 to i32
    %cond3A = arith.constant 0 : i32
    %cond3A_4 = arith.cmpi ne, %convert_element_type3A, %cond3A : i32
    scf.if %cond3A_4 {
      "tpu.region"() ({
        %run_scoped3A = tpu.sem_alloc : memref<!tpu.dma_semaphore, #tpu.memory_space<semaphore_mem>>
        tpu.enqueue_dma source(%arg2 : memref<3625x128xf32, #tpu.memory_space<hbm>>) target(%arg5 : memref<3625x128xf32, #tpu.memory_space<vmem_shared>>) target_semaphore(%run_scoped3A : memref<!tpu.dma_semaphore, #tpu.memory_space<semaphore_mem>>)
        tpu.wait_dma2 semaphore(%run_scoped3A : memref<!tpu.dma_semaphore, #tpu.memory_space<semaphore_mem>>) src(%arg2 : memref<3625x128xf32, #tpu.memory_space<hbm>>) dst(%arg5 : memref<3625x128xf32, #tpu.memory_space<vmem_shared>>)
        tpu.yield
      }) : () -> ()
    } else {
    }
    "tpu.region"() ({
      %run_scoped3A = tpu.sem_alloc : memref<!tpu.dma_semaphore, #tpu.memory_space<semaphore_mem>>
      %dma_start3A = tpu.memref_slice %arg3[%multiple_of3A] : memref<512000xi32, #tpu.memory_space<hbm>> -> memref<16000xi32, #tpu.memory_space<hbm>>
      %dma_start3A_45 = tpu.memref_slice %arg3[%multiple_of3A] : memref<512000xi32, #tpu.memory_space<hbm>> -> memref<16000xi32, #tpu.memory_space<hbm>>
      tpu.enqueue_dma source(%dma_start3A_45 : memref<16000xi32, #tpu.memory_space<hbm>>) target(%arg6 : memref<16000xi32, #tpu.memory_space<vmem>>) target_semaphore(%run_scoped3A : memref<!tpu.dma_semaphore, #tpu.memory_space<semaphore_mem>>)
      %dma_wait3A_46 = tpu.memref_slice %arg3[%multiple_of3A] : memref<512000xi32, #tpu.memory_space<hbm>> -> memref<16000xi32, #tpu.memory_space<hbm>>
      %dma_wait3A_47 = tpu.memref_slice %arg3[%multiple_of3A] : memref<512000xi32, #tpu.memory_space<hbm>> -> memref<16000xi32, #tpu.memory_space<hbm>>
      tpu.wait_dma2 semaphore(%run_scoped3A : memref<!tpu.dma_semaphore, #tpu.memory_space<semaphore_mem>>) src(%dma_wait3A_47 : memref<16000xi32, #tpu.memory_space<hbm>>) dst(%arg6 : memref<16000xi32, #tpu.memory_space<vmem>>)
      tpu.yield
    }) : () -> ()
    %barrier3A = arith.constant 0 : index
    tpu.barrier barrier_id(%barrier3A)
    %iota3A = tpu.iota {dimensions = array<i32: 0>} : vector<16xi32>
    %scan3A = arith.constant 0 : i32
    %scan3A_5 = arith.constant 0 : i32
    %scan3A_6 = arith.constant 25 : i32
    %scan3A_7 = arith.addi %scan3A_5, %scan3A_6 : i32
    %scan3A_8 = arith.constant 1 : i32
    scf.for %scan3A_45 = %scan3A_5 to %scan3A_7 step %scan3A_8  : i32 {
      %gt3A = arith.constant 0 : i32
      %gt3A_46 = arith.cmpi sgt, %scan3A_45, %gt3A : i32
      %convert_element_type3A_47 = arith.extui %gt3A_46 : i1 to i32
      %cond3A_48 = arith.constant 0 : i32
      %cond3A_49 = arith.cmpi ne, %convert_element_type3A_47, %cond3A_48 : i32
      scf.if %cond3A_49 {
        %dma_wait3A_1310 = arith.constant 0 : i32
        %dma_wait3A_1311 = arith.constant 0 : i32
        %dma_wait3A_1312 = tpu.memref_slice %arg8[%dma_wait3A_1310, %dma_wait3A_1311] : memref<640x128xf32, #tpu.memory_space<vmem>> -> memref<256x128xf32, #tpu.memory_space<vmem>>
        %dma_wait3A_1313 = arith.constant 0 : i32
        %dma_wait3A_1314 = arith.constant 0 : i32
        %dma_wait3A_1315 = tpu.memref_slice %arg4[%dma_wait3A_1313, %dma_wait3A_1314] : memref<512000x128xf32, #tpu.memory_space<hbm>> -> memref<256x128xf32, #tpu.memory_space<hbm>>
        %dma_wait3A_1316 = arith.constant 0 : i32
        %dma_wait3A_1317 = arith.constant 0 : i32
        %dma_wait3A_1318 = tpu.memref_slice %arg4[%dma_wait3A_1316, %dma_wait3A_1317] : memref<512000x128xf32, #tpu.memory_space<hbm>> -> memref<256x128xf32, #tpu.memory_space<hbm>>
        %dma_wait3A_1319 = arith.constant 0 : i32
        %dma_wait3A_1320 = arith.constant 0 : i32
        %dma_wait3A_1321 = tpu.memref_slice %arg8[%dma_wait3A_1319, %dma_wait3A_1320] : memref<640x128xf32, #tpu.memory_space<vmem>> -> memref<256x128xf32, #tpu.memory_space<vmem>>
        tpu.wait_dma2 semaphore(%arg14 : memref<!tpu.dma_semaphore, #tpu.memory_space<semaphore_mem>>) src(%dma_wait3A_1321 : memref<256x128xf32, #tpu.memory_space<vmem>>) dst(%dma_wait3A_1318 : memref<256x128xf32, #tpu.memory_space<hbm>>)
      } else {
      }
      %mul3A_50 = arith.constant 5 : i32
      %mul3A_51 = arith.muli %scan3A_45, %mul3A_50 : i32
      %add3A_52 = arith.constant 0 : i32
      %add3A_53 = arith.addi %mul3A_51, %add3A_52 : i32
      %mul3A_54 = arith.constant 128 : i32
      %mul3A_55 = arith.muli %add3A_53, %mul3A_54 : i32
      %add3A_56 = arith.addi %multiple_of3A, %mul3A_55 : i32
      %add3A_57 = arith.constant 0 : i32
      %add3A_58 = arith.addi %add3A_56, %add3A_57 : i32
      %add3A_59 = vector.broadcast %add3A_58 : i32 to vector<16xi32>
      %add3A_60 = arith.addi %add3A_59, %iota3A : vector<16xi32>
      %mul3A_61 = arith.constant 128 : i32
      %mul3A_62 = arith.muli %add3A_53, %mul3A_61 : i32
      %add3A_63 = arith.constant 0 : i32
      %add3A_64 = arith.addi %mul3A_62, %add3A_63 : i32
      %get3A = arith.index_cast %add3A_64 : i32 to index
      %get3A_65 = tpu.vector_load %arg6[%get3A] {strides = array<i32>} : memref<16000xi32, #tpu.memory_space<vmem>>, vector<16xi32>,
      %get3A_66 = vector.shape_cast %get3A_65 : vector<16xi32> to vector<16xi32>
      %mul3A_67 = arith.constant 125 : i32
      %mul3A_68 = vector.broadcast %mul3A_67 : i32 to vector<16xi32>
      %mul3A_69 = arith.muli %get3A_66, %mul3A_68 : vector<16xi32>
      %shift_right_logical3A = arith.constant 12 : i32
      %shift_right_logical3A_70 = vector.broadcast %shift_right_logical3A : i32 to vector<16xi32>
      %shift_right_logical3A_71 = arith.shrui %add3A_60, %shift_right_logical3A_70 : vector<16xi32>
      %add3A_72 = arith.addi %mul3A_69, %shift_right_logical3A_71 : vector<16xi32>
      %swap3A = arith.constant 0 : i32
      %swap3A_73 = arith.index_cast %swap3A : i32 to index
      %swap3A_74 = arith.constant 0 : index
      %swap3A_75 = tpu.vector_load %arg7[%swap3A_73, %swap3A_74] {strides = array<i32>} : memref<5x128xi32, #tpu.memory_space<vmem>>, vector<1x16xi32>,
      %swap3A_76 = vector.shape_cast %swap3A_75 : vector<1x16xi32> to vector<16xi32>
      %swap3A_77 = vector.shape_cast %add3A_72 : vector<16xi32> to vector<1x16xi32>
      tpu.vector_store %arg7[%swap3A_73, %swap3A_74], %swap3A_77 {strides = array<i32>} : memref<5x128xi32, #tpu.memory_space<vmem>>, vector<1x16xi32>,
      %mul3A_78 = arith.constant 128 : i32
      %mul3A_79 = arith.muli %add3A_53, %mul3A_78 : i32
      %add3A_80 = arith.addi %multiple_of3A, %mul3A_79 : i32
      %add3A_81 = arith.constant 16 : i32
      %add3A_82 = arith.addi %add3A_80, %add3A_81 : i32
      %add3A_83 = vector.broadcast %add3A_82 : i32 to vector<16xi32>
      %add3A_84 = arith.addi %add3A_83, %iota3A : vector<16xi32>
      %mul3A_85 = arith.constant 128 : i32
      %mul3A_86 = arith.muli %add3A_53, %mul3A_85 : i32
      %add3A_87 = arith.constant 16 : i32
      %add3A_88 = arith.addi %mul3A_86, %add3A_87 : i32
      %get3A_89 = arith.index_cast %add3A_88 : i32 to index
      %get3A_90 = tpu.vector_load %arg6[%get3A_89] {strides = array<i32>} : memref<16000xi32, #tpu.memory_space<vmem>>, vector<16xi32>,
      %get3A_91 = vector.shape_cast %get3A_90 : vector<16xi32> to vector<16xi32>
      %mul3A_92 = arith.constant 125 : i32
      %mul3A_93 = vector.broadcast %mul3A_92 : i32 to vector<16xi32>
      %mul3A_94 = arith.muli %get3A_91, %mul3A_93 : vector<16xi32>
      %shift_right_logical3A_95 = arith.constant 12 : i32
      %shift_right_logical3A_96 = vector.broadcast %shift_right_logical3A_95 : i32 to vector<16xi32>
      %shift_right_logical3A_97 = arith.shrui %add3A_84, %shift_right_logical3A_96 : vector<16xi32>
      %add3A_98 = arith.addi %mul3A_94, %shift_right_logical3A_97 : vector<16xi32>
      %swap3A_99 = arith.constant 0 : i32
      %swap3A_100 = arith.index_cast %swap3A_99 : i32 to index
      %swap3A_101 = arith.constant 16 : index
      %swap3A_102 = tpu.vector_load %arg7[%swap3A_100, %swap3A_101] {strides = array<i32>} : memref<5x128xi32, #tpu.memory_space<vmem>>, vector<1x16xi32>,
      %swap3A_103 = vector.shape_cast %swap3A_102 : vector<1x16xi32> to vector<16xi32>
      %swap3A_104 = vector.shape_cast %add3A_98 : vector<16xi32> to vector<1x16xi32>
      tpu.vector_store %arg7[%swap3A_100, %swap3A_101], %swap3A_104 {strides = array<i32>} : memref<5x128xi32, #tpu.memory_space<vmem>>, vector<1x16xi32>,
      %mul3A_105 = arith.constant 128 : i32
      %mul3A_106 = arith.muli %add3A_53, %mul3A_105 : i32
      %add3A_107 = arith.addi %multiple_of3A, %mul3A_106 : i32
      %add3A_108 = arith.constant 32 : i32
      %add3A_109 = arith.addi %add3A_107, %add3A_108 : i32
      %add3A_110 = vector.broadcast %add3A_109 : i32 to vector<16xi32>
      %add3A_111 = arith.addi %add3A_110, %iota3A : vector<16xi32>
      %mul3A_112 = arith.constant 128 : i32
      %mul3A_113 = arith.muli %add3A_53, %mul3A_112 : i32
      %add3A_114 = arith.constant 32 : i32
      %add3A_115 = arith.addi %mul3A_113, %add3A_114 : i32
      %get3A_116 = arith.index_cast %add3A_115 : i32 to index
      %get3A_117 = tpu.vector_load %arg6[%get3A_116] {strides = array<i32>} : memref<16000xi32, #tpu.memory_space<vmem>>, vector<16xi32>,
      %get3A_118 = vector.shape_cast %get3A_117 : vector<16xi32> to vector<16xi32>
      %mul3A_119 = arith.constant 125 : i32
      %mul3A_120 = vector.broadcast %mul3A_119 : i32 to vector<16xi32>
      %mul3A_121 = arith.muli %get3A_118, %mul3A_120 : vector<16xi32>
      %shift_right_logical3A_122 = arith.constant 12 : i32
      %shift_right_logical3A_123 = vector.broadcast %shift_right_logical3A_122 : i32 to vector<16xi32>
      %shift_right_logical3A_124 = arith.shrui %add3A_111, %shift_right_logical3A_123 : vector<16xi32>
      %add3A_125 = arith.addi %mul3A_121, %shift_right_logical3A_124 : vector<16xi32>
      %swap3A_126 = arith.constant 0 : i32
      %swap3A_127 = arith.index_cast %swap3A_126 : i32 to index
      %swap3A_128 = arith.constant 32 : index
      %swap3A_129 = tpu.vector_load %arg7[%swap3A_127, %swap3A_128] {strides = array<i32>} : memref<5x128xi32, #tpu.memory_space<vmem>>, vector<1x16xi32>,
      %swap3A_130 = vector.shape_cast %swap3A_129 : vector<1x16xi32> to vector<16xi32>
      %swap3A_131 = vector.shape_cast %add3A_125 : vector<16xi32> to vector<1x16xi32>
      tpu.vector_store %arg7[%swap3A_127, %swap3A_128], %swap3A_131 {strides = array<i32>} : memref<5x128xi32, #tpu.memory_space<vmem>>, vector<1x16xi32>,
      %mul3A_132 = arith.constant 128 : i32
      %mul3A_133 = arith.muli %add3A_53, %mul3A_132 : i32
      %add3A_134 = arith.addi %multiple_of3A, %mul3A_133 : i32
      %add3A_135 = arith.constant 48 : i32
      %add3A_136 = arith.addi %add3A_134, %add3A_135 : i32
      %add3A_137 = vector.broadcast %add3A_136 : i32 to vector<16xi32>
      %add3A_138 = arith.addi %add3A_137, %iota3A : vector<16xi32>
      %mul3A_139 = arith.constant 128 : i32
      %mul3A_140 = arith.muli %add3A_53, %mul3A_139 : i32
      %add3A_141 = arith.constant 48 : i32
      %add3A_142 = arith.addi %mul3A_140, %add3A_141 : i32
      %get3A_143 = arith.index_cast %add3A_142 : i32 to index
      %get3A_144 = tpu.vector_load %arg6[%get3A_143] {strides = array<i32>} : memref<16000xi32, #tpu.memory_space<vmem>>, vector<16xi32>,
      %get3A_145 = vector.shape_cast %get3A_144 : vector<16xi32> to vector<16xi32>
      %mul3A_146 = arith.constant 125 : i32
      %mul3A_147 = vector.broadcast %mul3A_146 : i32 to vector<16xi32>
      %mul3A_148 = arith.muli %get3A_145, %mul3A_147 : vector<16xi32>
      %shift_right_logical3A_149 = arith.constant 12 : i32
      %shift_right_logical3A_150 = vector.broadcast %shift_right_logical3A_149 : i32 to vector<16xi32>
      %shift_right_logical3A_151 = arith.shrui %add3A_138, %shift_right_logical3A_150 : vector<16xi32>
      %add3A_152 = arith.addi %mul3A_148, %shift_right_logical3A_151 : vector<16xi32>
      %swap3A_153 = arith.constant 0 : i32
      %swap3A_154 = arith.index_cast %swap3A_153 : i32 to index
      %swap3A_155 = arith.constant 48 : index
      %swap3A_156 = tpu.vector_load %arg7[%swap3A_154, %swap3A_155] {strides = array<i32>} : memref<5x128xi32, #tpu.memory_space<vmem>>, vector<1x16xi32>,
      %swap3A_157 = vector.shape_cast %swap3A_156 : vector<1x16xi32> to vector<16xi32>
      %swap3A_158 = vector.shape_cast %add3A_152 : vector<16xi32> to vector<1x16xi32>
      tpu.vector_store %arg7[%swap3A_154, %swap3A_155], %swap3A_158 {strides = array<i32>} : memref<5x128xi32, #tpu.memory_space<vmem>>, vector<1x16xi32>,
      %mul3A_159 = arith.constant 128 : i32
      %mul3A_160 = arith.muli %add3A_53, %mul3A_159 : i32
      %add3A_161 = arith.addi %multiple_of3A, %mul3A_160 : i32
      %add3A_162 = arith.constant 64 : i32
      %add3A_163 = arith.addi %add3A_161, %add3A_162 : i32
      %add3A_164 = vector.broadcast %add3A_163 : i32 to vector<16xi32>
      %add3A_165 = arith.addi %add3A_164, %iota3A : vector<16xi32>
      %mul3A_166 = arith.constant 128 : i32
      %mul3A_167 = arith.muli %add3A_53, %mul3A_166 : i32
      %add3A_168 = arith.constant 64 : i32
      %add3A_169 = arith.addi %mul3A_167, %add3A_168 : i32
      %get3A_170 = arith.index_cast %add3A_169 : i32 to index
      %get3A_171 = tpu.vector_load %arg6[%get3A_170] {strides = array<i32>} : memref<16000xi32, #tpu.memory_space<vmem>>, vector<16xi32>,
      %get3A_172 = vector.shape_cast %get3A_171 : vector<16xi32> to vector<16xi32>
      %mul3A_173 = arith.constant 125 : i32
      %mul3A_174 = vector.broadcast %mul3A_173 : i32 to vector<16xi32>
      %mul3A_175 = arith.muli %get3A_172, %mul3A_174 : vector<16xi32>
      %shift_right_logical3A_176 = arith.constant 12 : i32
      %shift_right_logical3A_177 = vector.broadcast %shift_right_logical3A_176 : i32 to vector<16xi32>
      %shift_right_logical3A_178 = arith.shrui %add3A_165, %shift_right_logical3A_177 : vector<16xi32>
      %add3A_179 = arith.addi %mul3A_175, %shift_right_logical3A_178 : vector<16xi32>
      %swap3A_180 = arith.constant 0 : i32
      %swap3A_181 = arith.index_cast %swap3A_180 : i32 to index
      %swap3A_182 = arith.constant 64 : index
      %swap3A_183 = tpu.vector_load %arg7[%swap3A_181, %swap3A_182] {strides = array<i32>} : memref<5x128xi32, #tpu.memory_space<vmem>>, vector<1x16xi32>,
      %swap3A_184 = vector.shape_cast %swap3A_183 : vector<1x16xi32> to vector<16xi32>
      %swap3A_185 = vector.shape_cast %add3A_179 : vector<16xi32> to vector<1x16xi32>
      tpu.vector_store %arg7[%swap3A_181, %swap3A_182], %swap3A_185 {strides = array<i32>} : memref<5x128xi32, #tpu.memory_space<vmem>>, vector<1x16xi32>,
      %mul3A_186 = arith.constant 128 : i32
      %mul3A_187 = arith.muli %add3A_53, %mul3A_186 : i32
      %add3A_188 = arith.addi %multiple_of3A, %mul3A_187 : i32
      %add3A_189 = arith.constant 80 : i32
      %add3A_190 = arith.addi %add3A_188, %add3A_189 : i32
      %add3A_191 = vector.broadcast %add3A_190 : i32 to vector<16xi32>
      %add3A_192 = arith.addi %add3A_191, %iota3A : vector<16xi32>
      %mul3A_193 = arith.constant 128 : i32
      %mul3A_194 = arith.muli %add3A_53, %mul3A_193 : i32
      %add3A_195 = arith.constant 80 : i32
      %add3A_196 = arith.addi %mul3A_194, %add3A_195 : i32
      %get3A_197 = arith.index_cast %add3A_196 : i32 to index
      %get3A_198 = tpu.vector_load %arg6[%get3A_197] {strides = array<i32>} : memref<16000xi32, #tpu.memory_space<vmem>>, vector<16xi32>,
      %get3A_199 = vector.shape_cast %get3A_198 : vector<16xi32> to vector<16xi32>
      %mul3A_200 = arith.constant 125 : i32
      %mul3A_201 = vector.broadcast %mul3A_200 : i32 to vector<16xi32>
      %mul3A_202 = arith.muli %get3A_199, %mul3A_201 : vector<16xi32>
      %shift_right_logical3A_203 = arith.constant 12 : i32
      %shift_right_logical3A_204 = vector.broadcast %shift_right_logical3A_203 : i32 to vector<16xi32>
      %shift_right_logical3A_205 = arith.shrui %add3A_192, %shift_right_logical3A_204 : vector<16xi32>
      %add3A_206 = arith.addi %mul3A_202, %shift_right_logical3A_205 : vector<16xi32>
      %swap3A_207 = arith.constant 0 : i32
      %swap3A_208 = arith.index_cast %swap3A_207 : i32 to index
      %swap3A_209 = arith.constant 80 : index
      %swap3A_210 = tpu.vector_load %arg7[%swap3A_208, %swap3A_209] {strides = array<i32>} : memref<5x128xi32, #tpu.memory_space<vmem>>, vector<1x16xi32>,
      %swap3A_211 = vector.shape_cast %swap3A_210 : vector<1x16xi32> to vector<16xi32>
      %swap3A_212 = vector.shape_cast %add3A_206 : vector<16xi32> to vector<1x16xi32>
      tpu.vector_store %arg7[%swap3A_208, %swap3A_209], %swap3A_212 {strides = array<i32>} : memref<5x128xi32, #tpu.memory_space<vmem>>, vector<1x16xi32>,
      %mul3A_213 = arith.constant 128 : i32
      %mul3A_214 = arith.muli %add3A_53, %mul3A_213 : i32
      %add3A_215 = arith.addi %multiple_of3A, %mul3A_214 : i32
      %add3A_216 = arith.constant 96 : i32
      %add3A_217 = arith.addi %add3A_215, %add3A_216 : i32
      %add3A_218 = vector.broadcast %add3A_217 : i32 to vector<16xi32>
      %add3A_219 = arith.addi %add3A_218, %iota3A : vector<16xi32>
      %mul3A_220 = arith.constant 128 : i32
      %mul3A_221 = arith.muli %add3A_53, %mul3A_220 : i32
      %add3A_222 = arith.constant 96 : i32
      %add3A_223 = arith.addi %mul3A_221, %add3A_222 : i32
      %get3A_224 = arith.index_cast %add3A_223 : i32 to index
      %get3A_225 = tpu.vector_load %arg6[%get3A_224] {strides = array<i32>} : memref<16000xi32, #tpu.memory_space<vmem>>, vector<16xi32>,
      %get3A_226 = vector.shape_cast %get3A_225 : vector<16xi32> to vector<16xi32>
      %mul3A_227 = arith.constant 125 : i32
      %mul3A_228 = vector.broadcast %mul3A_227 : i32 to vector<16xi32>
      %mul3A_229 = arith.muli %get3A_226, %mul3A_228 : vector<16xi32>
      %shift_right_logical3A_230 = arith.constant 12 : i32
      %shift_right_logical3A_231 = vector.broadcast %shift_right_logical3A_230 : i32 to vector<16xi32>
      %shift_right_logical3A_232 = arith.shrui %add3A_219, %shift_right_logical3A_231 : vector<16xi32>
      %add3A_233 = arith.addi %mul3A_229, %shift_right_logical3A_232 : vector<16xi32>
      %swap3A_234 = arith.constant 0 : i32
      %swap3A_235 = arith.index_cast %swap3A_234 : i32 to index
      %swap3A_236 = arith.constant 96 : index
      %swap3A_237 = tpu.vector_load %arg7[%swap3A_235, %swap3A_236] {strides = array<i32>} : memref<5x128xi32, #tpu.memory_space<vmem>>, vector<1x16xi32>,
      %swap3A_238 = vector.shape_cast %swap3A_237 : vector<1x16xi32> to vector<16xi32>
      %swap3A_239 = vector.shape_cast %add3A_233 : vector<16xi32> to vector<1x16xi32>
      tpu.vector_store %arg7[%swap3A_235, %swap3A_236], %swap3A_239 {strides = array<i32>} : memref<5x128xi32, #tpu.memory_space<vmem>>, vector<1x16xi32>,
      %mul3A_240 = arith.constant 128 : i32
      %mul3A_241 = arith.muli %add3A_53, %mul3A_240 : i32
      %add3A_242 = arith.addi %multiple_of3A, %mul3A_241 : i32
      %add3A_243 = arith.constant 112 : i32
      %add3A_244 = arith.addi %add3A_242, %add3A_243 : i32
      %add3A_245 = vector.broadcast %add3A_244 : i32 to vector<16xi32>
      %add3A_246 = arith.addi %add3A_245, %iota3A : vector<16xi32>
      %mul3A_247 = arith.constant 128 : i32
      %mul3A_248 = arith.muli %add3A_53, %mul3A_247 : i32
      %add3A_249 = arith.constant 112 : i32
      %add3A_250 = arith.addi %mul3A_248, %add3A_249 : i32
      %get3A_251 = arith.index_cast %add3A_250 : i32 to index
      %get3A_252 = tpu.vector_load %arg6[%get3A_251] {strides = array<i32>} : memref<16000xi32, #tpu.memory_space<vmem>>, vector<16xi32>,
      %get3A_253 = vector.shape_cast %get3A_252 : vector<16xi32> to vector<16xi32>
      %mul3A_254 = arith.constant 125 : i32
      %mul3A_255 = vector.broadcast %mul3A_254 : i32 to vector<16xi32>
      %mul3A_256 = arith.muli %get3A_253, %mul3A_255 : vector<16xi32>
      %shift_right_logical3A_257 = arith.constant 12 : i32
      %shift_right_logical3A_258 = vector.broadcast %shift_right_logical3A_257 : i32 to vector<16xi32>
      %shift_right_logical3A_259 = arith.shrui %add3A_246, %shift_right_logical3A_258 : vector<16xi32>
      %add3A_260 = arith.addi %mul3A_256, %shift_right_logical3A_259 : vector<16xi32>
      %swap3A_261 = arith.constant 0 : i32
      %swap3A_262 = arith.index_cast %swap3A_261 : i32 to index
      %swap3A_263 = arith.constant 112 : index
      %swap3A_264 = tpu.vector_load %arg7[%swap3A_262, %swap3A_263] {strides = array<i32>} : memref<5x128xi32, #tpu.memory_space<vmem>>, vector<1x16xi32>,
      %swap3A_265 = vector.shape_cast %swap3A_264 : vector<1x16xi32> to vector<16xi32>
      %swap3A_266 = vector.shape_cast %add3A_260 : vector<16xi32> to vector<1x16xi32>
      tpu.vector_store %arg7[%swap3A_262, %swap3A_263], %swap3A_266 {strides = array<i32>} : memref<5x128xi32, #tpu.memory_space<vmem>>, vector<1x16xi32>,
      %dma_start3A = arith.constant 0 : i32
      %dma_start3A_267 = arith.constant 0 : i32
      %dma_start3A_268 = arith.constant 0 : i32
      %dma_start3A_269 = tpu.memref_slice %arg8[%dma_start3A_267, %dma_start3A_268] : memref<640x128xf32, #tpu.memory_space<vmem>> -> memref<128x128xf32, #tpu.memory_space<vmem>>
      %dma_start3A_270 = arith.constant 0 : i32
      %dma_start3A_271 = tpu.memref_slice %arg7[%dma_start3A, %dma_start3A_270] : memref<5x128xi32, #tpu.memory_space<vmem>> -> memref<1x128xi32, #tpu.memory_space<vmem>>
      %dma_start3A_272 = tpu.memref_squeeze %dma_start3A_271 : memref<1x128xi32, #tpu.memory_space<vmem>> -> memref<128xi32, #tpu.memory_space<vmem>>
      %dma_start3A_273 = arith.constant 0 : i32
      %dma_start3A_274 = arith.constant 0 : i32
      %dma_start3A_275 = tpu.memref_slice %arg5[%dma_start3A_273, %dma_start3A_274] : memref<3625x128xf32, #tpu.memory_space<vmem_shared>> -> memref<3625x128xf32, #tpu.memory_space<vmem_shared>>
      tpu.enqueue_indirect_dma source(%dma_start3A_275 : memref<3625x128xf32, #tpu.memory_space<vmem_shared>>) target(%dma_start3A_269 : memref<128x128xf32, #tpu.memory_space<vmem>>) offsets(%dma_start3A_272 : memref<128xi32, #tpu.memory_space<vmem>>) semaphore(%arg9 : memref<!tpu.dma_semaphore, #tpu.memory_space<semaphore_mem>>)
      %mul3A_276 = arith.constant 5 : i32
      %mul3A_277 = arith.muli %scan3A_45, %mul3A_276 : i32
      %add3A_278 = arith.constant 1 : i32
      %add3A_279 = arith.addi %mul3A_277, %add3A_278 : i32
      %mul3A_280 = arith.constant 128 : i32
      %mul3A_281 = arith.muli %add3A_279, %mul3A_280 : i32
      %add3A_282 = arith.addi %multiple_of3A, %mul3A_281 : i32
      %add3A_283 = arith.constant 0 : i32
      %add3A_284 = arith.addi %add3A_282, %add3A_283 : i32
      %add3A_285 = vector.broadcast %add3A_284 : i32 to vector<16xi32>
      %add3A_286 = arith.addi %add3A_285, %iota3A : vector<16xi32>
      %mul3A_287 = arith.constant 128 : i32
      %mul3A_288 = arith.muli %add3A_279, %mul3A_287 : i32
      %add3A_289 = arith.constant 0 : i32
      %add3A_290 = arith.addi %mul3A_288, %add3A_289 : i32
      %get3A_291 = arith.index_cast %add3A_290 : i32 to index
      %get3A_292 = tpu.vector_load %arg6[%get3A_291] {strides = array<i32>} : memref<16000xi32, #tpu.memory_space<vmem>>, vector<16xi32>,
      %get3A_293 = vector.shape_cast %get3A_292 : vector<16xi32> to vector<16xi32>
      %mul3A_294 = arith.constant 125 : i32
      %mul3A_295 = vector.broadcast %mul3A_294 : i32 to vector<16xi32>
      %mul3A_296 = arith.muli %get3A_293, %mul3A_295 : vector<16xi32>
      %shift_right_logical3A_297 = arith.constant 12 : i32
      %shift_right_logical3A_298 = vector.broadcast %shift_right_logical3A_297 : i32 to vector<16xi32>
      %shift_right_logical3A_299 = arith.shrui %add3A_286, %shift_right_logical3A_298 : vector<16xi32>
      %add3A_300 = arith.addi %mul3A_296, %shift_right_logical3A_299 : vector<16xi32>
      %swap3A_301 = arith.constant 1 : i32
      %swap3A_302 = arith.index_cast %swap3A_301 : i32 to index
      %swap3A_303 = arith.constant 0 : index
      %swap3A_304 = tpu.vector_load %arg7[%swap3A_302, %swap3A_303] {strides = array<i32>} : memref<5x128xi32, #tpu.memory_space<vmem>>, vector<1x16xi32>,
      %swap3A_305 = vector.shape_cast %swap3A_304 : vector<1x16xi32> to vector<16xi32>
      %swap3A_306 = vector.shape_cast %add3A_300 : vector<16xi32> to vector<1x16xi32>
      tpu.vector_store %arg7[%swap3A_302, %swap3A_303], %swap3A_306 {strides = array<i32>} : memref<5x128xi32, #tpu.memory_space<vmem>>, vector<1x16xi32>,
      %mul3A_307 = arith.constant 128 : i32
      %mul3A_308 = arith.muli %add3A_279, %mul3A_307 : i32
      %add3A_309 = arith.addi %multiple_of3A, %mul3A_308 : i32
      %add3A_310 = arith.constant 16 : i32
      %add3A_311 = arith.addi %add3A_309, %add3A_310 : i32
      %add3A_312 = vector.broadcast %add3A_311 : i32 to vector<16xi32>
      %add3A_313 = arith.addi %add3A_312, %iota3A : vector<16xi32>
      %mul3A_314 = arith.constant 128 : i32
      %mul3A_315 = arith.muli %add3A_279, %mul3A_314 : i32
      %add3A_316 = arith.constant 16 : i32
      %add3A_317 = arith.addi %mul3A_315, %add3A_316 : i32
      %get3A_318 = arith.index_cast %add3A_317 : i32 to index
      %get3A_319 = tpu.vector_load %arg6[%get3A_318] {strides = array<i32>} : memref<16000xi32, #tpu.memory_space<vmem>>, vector<16xi32>,
      %get3A_320 = vector.shape_cast %get3A_319 : vector<16xi32> to vector<16xi32>
      %mul3A_321 = arith.constant 125 : i32
      %mul3A_322 = vector.broadcast %mul3A_321 : i32 to vector<16xi32>
      %mul3A_323 = arith.muli %get3A_320, %mul3A_322 : vector<16xi32>
      %shift_right_logical3A_324 = arith.constant 12 : i32
      %shift_right_logical3A_325 = vector.broadcast %shift_right_logical3A_324 : i32 to vector<16xi32>
      %shift_right_logical3A_326 = arith.shrui %add3A_313, %shift_right_logical3A_325 : vector<16xi32>
      %add3A_327 = arith.addi %mul3A_323, %shift_right_logical3A_326 : vector<16xi32>
      %swap3A_328 = arith.constant 1 : i32
      %swap3A_329 = arith.index_cast %swap3A_328 : i32 to index
      %swap3A_330 = arith.constant 16 : index
      %swap3A_331 = tpu.vector_load %arg7[%swap3A_329, %swap3A_330] {strides = array<i32>} : memref<5x128xi32, #tpu.memory_space<vmem>>, vector<1x16xi32>,
      %swap3A_332 = vector.shape_cast %swap3A_331 : vector<1x16xi32> to vector<16xi32>
      %swap3A_333 = vector.shape_cast %add3A_327 : vector<16xi32> to vector<1x16xi32>
      tpu.vector_store %arg7[%swap3A_329, %swap3A_330], %swap3A_333 {strides = array<i32>} : memref<5x128xi32, #tpu.memory_space<vmem>>, vector<1x16xi32>,
      %mul3A_334 = arith.constant 128 : i32
      %mul3A_335 = arith.muli %add3A_279, %mul3A_334 : i32
      %add3A_336 = arith.addi %multiple_of3A, %mul3A_335 : i32
      %add3A_337 = arith.constant 32 : i32
      %add3A_338 = arith.addi %add3A_336, %add3A_337 : i32
      %add3A_339 = vector.broadcast %add3A_338 : i32 to vector<16xi32>
      %add3A_340 = arith.addi %add3A_339, %iota3A : vector<16xi32>
      %mul3A_341 = arith.constant 128 : i32
      %mul3A_342 = arith.muli %add3A_279, %mul3A_341 : i32
      %add3A_343 = arith.constant 32 : i32
      %add3A_344 = arith.addi %mul3A_342, %add3A_343 : i32
      %get3A_345 = arith.index_cast %add3A_344 : i32 to index
      %get3A_346 = tpu.vector_load %arg6[%get3A_345] {strides = array<i32>} : memref<16000xi32, #tpu.memory_space<vmem>>, vector<16xi32>,
      %get3A_347 = vector.shape_cast %get3A_346 : vector<16xi32> to vector<16xi32>
      %mul3A_348 = arith.constant 125 : i32
      %mul3A_349 = vector.broadcast %mul3A_348 : i32 to vector<16xi32>
      %mul3A_350 = arith.muli %get3A_347, %mul3A_349 : vector<16xi32>
      %shift_right_logical3A_351 = arith.constant 12 : i32
      %shift_right_logical3A_352 = vector.broadcast %shift_right_logical3A_351 : i32 to vector<16xi32>
      %shift_right_logical3A_353 = arith.shrui %add3A_340, %shift_right_logical3A_352 : vector<16xi32>
      %add3A_354 = arith.addi %mul3A_350, %shift_right_logical3A_353 : vector<16xi32>
      %swap3A_355 = arith.constant 1 : i32
      %swap3A_356 = arith.index_cast %swap3A_355 : i32 to index
      %swap3A_357 = arith.constant 32 : index
      %swap3A_358 = tpu.vector_load %arg7[%swap3A_356, %swap3A_357] {strides = array<i32>} : memref<5x128xi32, #tpu.memory_space<vmem>>, vector<1x16xi32>,
      %swap3A_359 = vector.shape_cast %swap3A_358 : vector<1x16xi32> to vector<16xi32>
      %swap3A_360 = vector.shape_cast %add3A_354 : vector<16xi32> to vector<1x16xi32>
      tpu.vector_store %arg7[%swap3A_356, %swap3A_357], %swap3A_360 {strides = array<i32>} : memref<5x128xi32, #tpu.memory_space<vmem>>, vector<1x16xi32>,
      %mul3A_361 = arith.constant 128 : i32
      %mul3A_362 = arith.muli %add3A_279, %mul3A_361 : i32
      %add3A_363 = arith.addi %multiple_of3A, %mul3A_362 : i32
      %add3A_364 = arith.constant 48 : i32
      %add3A_365 = arith.addi %add3A_363, %add3A_364 : i32
      %add3A_366 = vector.broadcast %add3A_365 : i32 to vector<16xi32>
      %add3A_367 = arith.addi %add3A_366, %iota3A : vector<16xi32>
      %mul3A_368 = arith.constant 128 : i32
      %mul3A_369 = arith.muli %add3A_279, %mul3A_368 : i32
      %add3A_370 = arith.constant 48 : i32
      %add3A_371 = arith.addi %mul3A_369, %add3A_370 : i32
      %get3A_372 = arith.index_cast %add3A_371 : i32 to index
      %get3A_373 = tpu.vector_load %arg6[%get3A_372] {strides = array<i32>} : memref<16000xi32, #tpu.memory_space<vmem>>, vector<16xi32>,
      %get3A_374 = vector.shape_cast %get3A_373 : vector<16xi32> to vector<16xi32>
      %mul3A_375 = arith.constant 125 : i32
      %mul3A_376 = vector.broadcast %mul3A_375 : i32 to vector<16xi32>
      %mul3A_377 = arith.muli %get3A_374, %mul3A_376 : vector<16xi32>
      %shift_right_logical3A_378 = arith.constant 12 : i32
      %shift_right_logical3A_379 = vector.broadcast %shift_right_logical3A_378 : i32 to vector<16xi32>
      %shift_right_logical3A_380 = arith.shrui %add3A_367, %shift_right_logical3A_379 : vector<16xi32>
      %add3A_381 = arith.addi %mul3A_377, %shift_right_logical3A_380 : vector<16xi32>
      %swap3A_382 = arith.constant 1 : i32
      %swap3A_383 = arith.index_cast %swap3A_382 : i32 to index
      %swap3A_384 = arith.constant 48 : index
      %swap3A_385 = tpu.vector_load %arg7[%swap3A_383, %swap3A_384] {strides = array<i32>} : memref<5x128xi32, #tpu.memory_space<vmem>>, vector<1x16xi32>,
      %swap3A_386 = vector.shape_cast %swap3A_385 : vector<1x16xi32> to vector<16xi32>
      %swap3A_387 = vector.shape_cast %add3A_381 : vector<16xi32> to vector<1x16xi32>
      tpu.vector_store %arg7[%swap3A_383, %swap3A_384], %swap3A_387 {strides = array<i32>} : memref<5x128xi32, #tpu.memory_space<vmem>>, vector<1x16xi32>,
      %mul3A_388 = arith.constant 128 : i32
      %mul3A_389 = arith.muli %add3A_279, %mul3A_388 : i32
      %add3A_390 = arith.addi %multiple_of3A, %mul3A_389 : i32
      %add3A_391 = arith.constant 64 : i32
      %add3A_392 = arith.addi %add3A_390, %add3A_391 : i32
      %add3A_393 = vector.broadcast %add3A_392 : i32 to vector<16xi32>
      %add3A_394 = arith.addi %add3A_393, %iota3A : vector<16xi32>
      %mul3A_395 = arith.constant 128 : i32
      %mul3A_396 = arith.muli %add3A_279, %mul3A_395 : i32
      %add3A_397 = arith.constant 64 : i32
      %add3A_398 = arith.addi %mul3A_396, %add3A_397 : i32
      %get3A_399 = arith.index_cast %add3A_398 : i32 to index
      %get3A_400 = tpu.vector_load %arg6[%get3A_399] {strides = array<i32>} : memref<16000xi32, #tpu.memory_space<vmem>>, vector<16xi32>,
      %get3A_401 = vector.shape_cast %get3A_400 : vector<16xi32> to vector<16xi32>
      %mul3A_402 = arith.constant 125 : i32
      %mul3A_403 = vector.broadcast %mul3A_402 : i32 to vector<16xi32>
      %mul3A_404 = arith.muli %get3A_401, %mul3A_403 : vector<16xi32>
      %shift_right_logical3A_405 = arith.constant 12 : i32
      %shift_right_logical3A_406 = vector.broadcast %shift_right_logical3A_405 : i32 to vector<16xi32>
      %shift_right_logical3A_407 = arith.shrui %add3A_394, %shift_right_logical3A_406 : vector<16xi32>
      %add3A_408 = arith.addi %mul3A_404, %shift_right_logical3A_407 : vector<16xi32>
      %swap3A_409 = arith.constant 1 : i32
      %swap3A_410 = arith.index_cast %swap3A_409 : i32 to index
      %swap3A_411 = arith.constant 64 : index
      %swap3A_412 = tpu.vector_load %arg7[%swap3A_410, %swap3A_411] {strides = array<i32>} : memref<5x128xi32, #tpu.memory_space<vmem>>, vector<1x16xi32>,
      %swap3A_413 = vector.shape_cast %swap3A_412 : vector<1x16xi32> to vector<16xi32>
      %swap3A_414 = vector.shape_cast %add3A_408 : vector<16xi32> to vector<1x16xi32>
      tpu.vector_store %arg7[%swap3A_410, %swap3A_411], %swap3A_414 {strides = array<i32>} : memref<5x128xi32, #tpu.memory_space<vmem>>, vector<1x16xi32>,
      %mul3A_415 = arith.constant 128 : i32
      %mul3A_416 = arith.muli %add3A_279, %mul3A_415 : i32
      %add3A_417 = arith.addi %multiple_of3A, %mul3A_416 : i32
      %add3A_418 = arith.constant 80 : i32
      %add3A_419 = arith.addi %add3A_417, %add3A_418 : i32
      %add3A_420 = vector.broadcast %add3A_419 : i32 to vector<16xi32>
      %add3A_421 = arith.addi %add3A_420, %iota3A : vector<16xi32>
      %mul3A_422 = arith.constant 128 : i32
      %mul3A_423 = arith.muli %add3A_279, %mul3A_422 : i32
      %add3A_424 = arith.constant 80 : i32
      %add3A_425 = arith.addi %mul3A_423, %add3A_424 : i32
      %get3A_426 = arith.index_cast %add3A_425 : i32 to index
      %get3A_427 = tpu.vector_load %arg6[%get3A_426] {strides = array<i32>} : memref<16000xi32, #tpu.memory_space<vmem>>, vector<16xi32>,
      %get3A_428 = vector.shape_cast %get3A_427 : vector<16xi32> to vector<16xi32>
      %mul3A_429 = arith.constant 125 : i32
      %mul3A_430 = vector.broadcast %mul3A_429 : i32 to vector<16xi32>
      %mul3A_431 = arith.muli %get3A_428, %mul3A_430 : vector<16xi32>
      %shift_right_logical3A_432 = arith.constant 12 : i32
      %shift_right_logical3A_433 = vector.broadcast %shift_right_logical3A_432 : i32 to vector<16xi32>
      %shift_right_logical3A_434 = arith.shrui %add3A_421, %shift_right_logical3A_433 : vector<16xi32>
      %add3A_435 = arith.addi %mul3A_431, %shift_right_logical3A_434 : vector<16xi32>
      %swap3A_436 = arith.constant 1 : i32
      %swap3A_437 = arith.index_cast %swap3A_436 : i32 to index
      %swap3A_438 = arith.constant 80 : index
      %swap3A_439 = tpu.vector_load %arg7[%swap3A_437, %swap3A_438] {strides = array<i32>} : memref<5x128xi32, #tpu.memory_space<vmem>>, vector<1x16xi32>,
      %swap3A_440 = vector.shape_cast %swap3A_439 : vector<1x16xi32> to vector<16xi32>
      %swap3A_441 = vector.shape_cast %add3A_435 : vector<16xi32> to vector<1x16xi32>
      tpu.vector_store %arg7[%swap3A_437, %swap3A_438], %swap3A_441 {strides = array<i32>} : memref<5x128xi32, #tpu.memory_space<vmem>>, vector<1x16xi32>,
      %mul3A_442 = arith.constant 128 : i32
      %mul3A_443 = arith.muli %add3A_279, %mul3A_442 : i32
      %add3A_444 = arith.addi %multiple_of3A, %mul3A_443 : i32
      %add3A_445 = arith.constant 96 : i32
      %add3A_446 = arith.addi %add3A_444, %add3A_445 : i32
      %add3A_447 = vector.broadcast %add3A_446 : i32 to vector<16xi32>
      %add3A_448 = arith.addi %add3A_447, %iota3A : vector<16xi32>
      %mul3A_449 = arith.constant 128 : i32
      %mul3A_450 = arith.muli %add3A_279, %mul3A_449 : i32
      %add3A_451 = arith.constant 96 : i32
      %add3A_452 = arith.addi %mul3A_450, %add3A_451 : i32
      %get3A_453 = arith.index_cast %add3A_452 : i32 to index
      %get3A_454 = tpu.vector_load %arg6[%get3A_453] {strides = array<i32>} : memref<16000xi32, #tpu.memory_space<vmem>>, vector<16xi32>,
      %get3A_455 = vector.shape_cast %get3A_454 : vector<16xi32> to vector<16xi32>
      %mul3A_456 = arith.constant 125 : i32
      %mul3A_457 = vector.broadcast %mul3A_456 : i32 to vector<16xi32>
      %mul3A_458 = arith.muli %get3A_455, %mul3A_457 : vector<16xi32>
      %shift_right_logical3A_459 = arith.constant 12 : i32
      %shift_right_logical3A_460 = vector.broadcast %shift_right_logical3A_459 : i32 to vector<16xi32>
      %shift_right_logical3A_461 = arith.shrui %add3A_448, %shift_right_logical3A_460 : vector<16xi32>
      %add3A_462 = arith.addi %mul3A_458, %shift_right_logical3A_461 : vector<16xi32>
      %swap3A_463 = arith.constant 1 : i32
      %swap3A_464 = arith.index_cast %swap3A_463 : i32 to index
      %swap3A_465 = arith.constant 96 : index
      %swap3A_466 = tpu.vector_load %arg7[%swap3A_464, %swap3A_465] {strides = array<i32>} : memref<5x128xi32, #tpu.memory_space<vmem>>, vector<1x16xi32>,
      %swap3A_467 = vector.shape_cast %swap3A_466 : vector<1x16xi32> to vector<16xi32>
      %swap3A_468 = vector.shape_cast %add3A_462 : vector<16xi32> to vector<1x16xi32>
      tpu.vector_store %arg7[%swap3A_464, %swap3A_465], %swap3A_468 {strides = array<i32>} : memref<5x128xi32, #tpu.memory_space<vmem>>, vector<1x16xi32>,
      %mul3A_469 = arith.constant 128 : i32
      %mul3A_470 = arith.muli %add3A_279, %mul3A_469 : i32
      %add3A_471 = arith.addi %multiple_of3A, %mul3A_470 : i32
      %add3A_472 = arith.constant 112 : i32
      %add3A_473 = arith.addi %add3A_471, %add3A_472 : i32
      %add3A_474 = vector.broadcast %add3A_473 : i32 to vector<16xi32>
      %add3A_475 = arith.addi %add3A_474, %iota3A : vector<16xi32>
      %mul3A_476 = arith.constant 128 : i32
      %mul3A_477 = arith.muli %add3A_279, %mul3A_476 : i32
      %add3A_478 = arith.constant 112 : i32
      %add3A_479 = arith.addi %mul3A_477, %add3A_478 : i32
      %get3A_480 = arith.index_cast %add3A_479 : i32 to index
      %get3A_481 = tpu.vector_load %arg6[%get3A_480] {strides = array<i32>} : memref<16000xi32, #tpu.memory_space<vmem>>, vector<16xi32>,
      %get3A_482 = vector.shape_cast %get3A_481 : vector<16xi32> to vector<16xi32>
      %mul3A_483 = arith.constant 125 : i32
      %mul3A_484 = vector.broadcast %mul3A_483 : i32 to vector<16xi32>
      %mul3A_485 = arith.muli %get3A_482, %mul3A_484 : vector<16xi32>
      %shift_right_logical3A_486 = arith.constant 12 : i32
      %shift_right_logical3A_487 = vector.broadcast %shift_right_logical3A_486 : i32 to vector<16xi32>
      %shift_right_logical3A_488 = arith.shrui %add3A_475, %shift_right_logical3A_487 : vector<16xi32>
      %add3A_489 = arith.addi %mul3A_485, %shift_right_logical3A_488 : vector<16xi32>
      %swap3A_490 = arith.constant 1 : i32
      %swap3A_491 = arith.index_cast %swap3A_490 : i32 to index
      %swap3A_492 = arith.constant 112 : index
      %swap3A_493 = tpu.vector_load %arg7[%swap3A_491, %swap3A_492] {strides = array<i32>} : memref<5x128xi32, #tpu.memory_space<vmem>>, vector<1x16xi32>,
      %swap3A_494 = vector.shape_cast %swap3A_493 : vector<1x16xi32> to vector<16xi32>
      %swap3A_495 = vector.shape_cast %add3A_489 : vector<16xi32> to vector<1x16xi32>
      tpu.vector_store %arg7[%swap3A_491, %swap3A_492], %swap3A_495 {strides = array<i32>} : memref<5x128xi32, #tpu.memory_space<vmem>>, vector<1x16xi32>,
      %dma_start3A_496 = arith.constant 1 : i32
      %dma_start3A_497 = arith.constant 128 : i32
      %dma_start3A_498 = arith.constant 0 : i32
      %dma_start3A_499 = tpu.memref_slice %arg8[%dma_start3A_497, %dma_start3A_498] : memref<640x128xf32, #tpu.memory_space<vmem>> -> memref<128x128xf32, #tpu.memory_space<vmem>>
      %dma_start3A_500 = arith.constant 0 : i32
      %dma_start3A_501 = tpu.memref_slice %arg7[%dma_start3A_496, %dma_start3A_500] : memref<5x128xi32, #tpu.memory_space<vmem>> -> memref<1x128xi32, #tpu.memory_space<vmem>>
      %dma_start3A_502 = tpu.memref_squeeze %dma_start3A_501 : memref<1x128xi32, #tpu.memory_space<vmem>> -> memref<128xi32, #tpu.memory_space<vmem>>
      %dma_start3A_503 = arith.constant 0 : i32
      %dma_start3A_504 = arith.constant 0 : i32
      %dma_start3A_505 = tpu.memref_slice %arg5[%dma_start3A_503, %dma_start3A_504] : memref<3625x128xf32, #tpu.memory_space<vmem_shared>> -> memref<3625x128xf32, #tpu.memory_space<vmem_shared>>
      tpu.enqueue_indirect_dma source(%dma_start3A_505 : memref<3625x128xf32, #tpu.memory_space<vmem_shared>>) target(%dma_start3A_499 : memref<128x128xf32, #tpu.memory_space<vmem>>) offsets(%dma_start3A_502 : memref<128xi32, #tpu.memory_space<vmem>>) semaphore(%arg10 : memref<!tpu.dma_semaphore, #tpu.memory_space<semaphore_mem>>)
      %gt3A_506 = arith.constant 0 : i32
      %gt3A_507 = arith.cmpi sgt, %scan3A_45, %gt3A_506 : i32
      %convert_element_type3A_508 = arith.extui %gt3A_507 : i1 to i32
      %cond3A_509 = arith.constant 0 : i32
      %cond3A_510 = arith.cmpi ne, %convert_element_type3A_508, %cond3A_509 : i32
      scf.if %cond3A_510 {
        %dma_wait3A_1310 = arith.constant 256 : i32
        %dma_wait3A_1311 = arith.constant 0 : i32
        %dma_wait3A_1312 = tpu.memref_slice %arg8[%dma_wait3A_1310, %dma_wait3A_1311] : memref<640x128xf32, #tpu.memory_space<vmem>> -> memref<256x128xf32, #tpu.memory_space<vmem>>
        %dma_wait3A_1313 = arith.constant 0 : i32
        %dma_wait3A_1314 = arith.constant 0 : i32
        %dma_wait3A_1315 = tpu.memref_slice %arg4[%dma_wait3A_1313, %dma_wait3A_1314] : memref<512000x128xf32, #tpu.memory_space<hbm>> -> memref<256x128xf32, #tpu.memory_space<hbm>>
        %dma_wait3A_1316 = arith.constant 0 : i32
        %dma_wait3A_1317 = arith.constant 0 : i32
        %dma_wait3A_1318 = tpu.memref_slice %arg4[%dma_wait3A_1316, %dma_wait3A_1317] : memref<512000x128xf32, #tpu.memory_space<hbm>> -> memref<256x128xf32, #tpu.memory_space<hbm>>
        %dma_wait3A_1319 = arith.constant 256 : i32
        %dma_wait3A_1320 = arith.constant 0 : i32
        %dma_wait3A_1321 = tpu.memref_slice %arg8[%dma_wait3A_1319, %dma_wait3A_1320] : memref<640x128xf32, #tpu.memory_space<vmem>> -> memref<256x128xf32, #tpu.memory_space<vmem>>
        tpu.wait_dma2 semaphore(%arg15 : memref<!tpu.dma_semaphore, #tpu.memory_space<semaphore_mem>>) src(%dma_wait3A_1321 : memref<256x128xf32, #tpu.memory_space<vmem>>) dst(%dma_wait3A_1318 : memref<256x128xf32, #tpu.memory_space<hbm>>)
      } else {
      }
      %mul3A_511 = arith.constant 5 : i32
      %mul3A_512 = arith.muli %scan3A_45, %mul3A_511 : i32
      %add3A_513 = arith.constant 2 : i32
      %add3A_514 = arith.addi %mul3A_512, %add3A_513 : i32
      %mul3A_515 = arith.constant 128 : i32
      %mul3A_516 = arith.muli %add3A_514, %mul3A_515 : i32
      %add3A_517 = arith.addi %multiple_of3A, %mul3A_516 : i32
      %add3A_518 = arith.constant 0 : i32
      %add3A_519 = arith.addi %add3A_517, %add3A_518 : i32
      %add3A_520 = vector.broadcast %add3A_519 : i32 to vector<16xi32>
      %add3A_521 = arith.addi %add3A_520, %iota3A : vector<16xi32>
      %mul3A_522 = arith.constant 128 : i32
      %mul3A_523 = arith.muli %add3A_514, %mul3A_522 : i32
      %add3A_524 = arith.constant 0 : i32
      %add3A_525 = arith.addi %mul3A_523, %add3A_524 : i32
      %get3A_526 = arith.index_cast %add3A_525 : i32 to index
      %get3A_527 = tpu.vector_load %arg6[%get3A_526] {strides = array<i32>} : memref<16000xi32, #tpu.memory_space<vmem>>, vector<16xi32>,
      %get3A_528 = vector.shape_cast %get3A_527 : vector<16xi32> to vector<16xi32>
      %mul3A_529 = arith.constant 125 : i32
      %mul3A_530 = vector.broadcast %mul3A_529 : i32 to vector<16xi32>
      %mul3A_531 = arith.muli %get3A_528, %mul3A_530 : vector<16xi32>
      %shift_right_logical3A_532 = arith.constant 12 : i32
      %shift_right_logical3A_533 = vector.broadcast %shift_right_logical3A_532 : i32 to vector<16xi32>
      %shift_right_logical3A_534 = arith.shrui %add3A_521, %shift_right_logical3A_533 : vector<16xi32>
      %add3A_535 = arith.addi %mul3A_531, %shift_right_logical3A_534 : vector<16xi32>
      %swap3A_536 = arith.constant 2 : i32
      %swap3A_537 = arith.index_cast %swap3A_536 : i32 to index
      %swap3A_538 = arith.constant 0 : index
      %swap3A_539 = tpu.vector_load %arg7[%swap3A_537, %swap3A_538] {strides = array<i32>} : memref<5x128xi32, #tpu.memory_space<vmem>>, vector<1x16xi32>,
      %swap3A_540 = vector.shape_cast %swap3A_539 : vector<1x16xi32> to vector<16xi32>
      %swap3A_541 = vector.shape_cast %add3A_535 : vector<16xi32> to vector<1x16xi32>
      tpu.vector_store %arg7[%swap3A_537, %swap3A_538], %swap3A_541 {strides = array<i32>} : memref<5x128xi32, #tpu.memory_space<vmem>>, vector<1x16xi32>,
      %mul3A_542 = arith.constant 128 : i32
      %mul3A_543 = arith.muli %add3A_514, %mul3A_542 : i32
      %add3A_544 = arith.addi %multiple_of3A, %mul3A_543 : i32
      %add3A_545 = arith.constant 16 : i32
      %add3A_546 = arith.addi %add3A_544, %add3A_545 : i32
      %add3A_547 = vector.broadcast %add3A_546 : i32 to vector<16xi32>
      %add3A_548 = arith.addi %add3A_547, %iota3A : vector<16xi32>
      %mul3A_549 = arith.constant 128 : i32
      %mul3A_550 = arith.muli %add3A_514, %mul3A_549 : i32
      %add3A_551 = arith.constant 16 : i32
      %add3A_552 = arith.addi %mul3A_550, %add3A_551 : i32
      %get3A_553 = arith.index_cast %add3A_552 : i32 to index
      %get3A_554 = tpu.vector_load %arg6[%get3A_553] {strides = array<i32>} : memref<16000xi32, #tpu.memory_space<vmem>>, vector<16xi32>,
      %get3A_555 = vector.shape_cast %get3A_554 : vector<16xi32> to vector<16xi32>
      %mul3A_556 = arith.constant 125 : i32
      %mul3A_557 = vector.broadcast %mul3A_556 : i32 to vector<16xi32>
      %mul3A_558 = arith.muli %get3A_555, %mul3A_557 : vector<16xi32>
      %shift_right_logical3A_559 = arith.constant 12 : i32
      %shift_right_logical3A_560 = vector.broadcast %shift_right_logical3A_559 : i32 to vector<16xi32>
      %shift_right_logical3A_561 = arith.shrui %add3A_548, %shift_right_logical3A_560 : vector<16xi32>
      %add3A_562 = arith.addi %mul3A_558, %shift_right_logical3A_561 : vector<16xi32>
      %swap3A_563 = arith.constant 2 : i32
      %swap3A_564 = arith.index_cast %swap3A_563 : i32 to index
      %swap3A_565 = arith.constant 16 : index
      %swap3A_566 = tpu.vector_load %arg7[%swap3A_564, %swap3A_565] {strides = array<i32>} : memref<5x128xi32, #tpu.memory_space<vmem>>, vector<1x16xi32>,
      %swap3A_567 = vector.shape_cast %swap3A_566 : vector<1x16xi32> to vector<16xi32>
      %swap3A_568 = vector.shape_cast %add3A_562 : vector<16xi32> to vector<1x16xi32>
      tpu.vector_store %arg7[%swap3A_564, %swap3A_565], %swap3A_568 {strides = array<i32>} : memref<5x128xi32, #tpu.memory_space<vmem>>, vector<1x16xi32>,
      %mul3A_569 = arith.constant 128 : i32
      %mul3A_570 = arith.muli %add3A_514, %mul3A_569 : i32
      %add3A_571 = arith.addi %multiple_of3A, %mul3A_570 : i32
      %add3A_572 = arith.constant 32 : i32
      %add3A_573 = arith.addi %add3A_571, %add3A_572 : i32
      %add3A_574 = vector.broadcast %add3A_573 : i32 to vector<16xi32>
      %add3A_575 = arith.addi %add3A_574, %iota3A : vector<16xi32>
      %mul3A_576 = arith.constant 128 : i32
      %mul3A_577 = arith.muli %add3A_514, %mul3A_576 : i32
      %add3A_578 = arith.constant 32 : i32
      %add3A_579 = arith.addi %mul3A_577, %add3A_578 : i32
      %get3A_580 = arith.index_cast %add3A_579 : i32 to index
      %get3A_581 = tpu.vector_load %arg6[%get3A_580] {strides = array<i32>} : memref<16000xi32, #tpu.memory_space<vmem>>, vector<16xi32>,
      %get3A_582 = vector.shape_cast %get3A_581 : vector<16xi32> to vector<16xi32>
      %mul3A_583 = arith.constant 125 : i32
      %mul3A_584 = vector.broadcast %mul3A_583 : i32 to vector<16xi32>
      %mul3A_585 = arith.muli %get3A_582, %mul3A_584 : vector<16xi32>
      %shift_right_logical3A_586 = arith.constant 12 : i32
      %shift_right_logical3A_587 = vector.broadcast %shift_right_logical3A_586 : i32 to vector<16xi32>
      %shift_right_logical3A_588 = arith.shrui %add3A_575, %shift_right_logical3A_587 : vector<16xi32>
      %add3A_589 = arith.addi %mul3A_585, %shift_right_logical3A_588 : vector<16xi32>
      %swap3A_590 = arith.constant 2 : i32
      %swap3A_591 = arith.index_cast %swap3A_590 : i32 to index
      %swap3A_592 = arith.constant 32 : index
      %swap3A_593 = tpu.vector_load %arg7[%swap3A_591, %swap3A_592] {strides = array<i32>} : memref<5x128xi32, #tpu.memory_space<vmem>>, vector<1x16xi32>,
      %swap3A_594 = vector.shape_cast %swap3A_593 : vector<1x16xi32> to vector<16xi32>
      %swap3A_595 = vector.shape_cast %add3A_589 : vector<16xi32> to vector<1x16xi32>
      tpu.vector_store %arg7[%swap3A_591, %swap3A_592], %swap3A_595 {strides = array<i32>} : memref<5x128xi32, #tpu.memory_space<vmem>>, vector<1x16xi32>,
      %mul3A_596 = arith.constant 128 : i32
      %mul3A_597 = arith.muli %add3A_514, %mul3A_596 : i32
      %add3A_598 = arith.addi %multiple_of3A, %mul3A_597 : i32
      %add3A_599 = arith.constant 48 : i32
      %add3A_600 = arith.addi %add3A_598, %add3A_599 : i32
      %add3A_601 = vector.broadcast %add3A_600 : i32 to vector<16xi32>
      %add3A_602 = arith.addi %add3A_601, %iota3A : vector<16xi32>
      %mul3A_603 = arith.constant 128 : i32
      %mul3A_604 = arith.muli %add3A_514, %mul3A_603 : i32
      %add3A_605 = arith.constant 48 : i32
      %add3A_606 = arith.addi %mul3A_604, %add3A_605 : i32
      %get3A_607 = arith.index_cast %add3A_606 : i32 to index
      %get3A_608 = tpu.vector_load %arg6[%get3A_607] {strides = array<i32>} : memref<16000xi32, #tpu.memory_space<vmem>>, vector<16xi32>,
      %get3A_609 = vector.shape_cast %get3A_608 : vector<16xi32> to vector<16xi32>
      %mul3A_610 = arith.constant 125 : i32
      %mul3A_611 = vector.broadcast %mul3A_610 : i32 to vector<16xi32>
      %mul3A_612 = arith.muli %get3A_609, %mul3A_611 : vector<16xi32>
      %shift_right_logical3A_613 = arith.constant 12 : i32
      %shift_right_logical3A_614 = vector.broadcast %shift_right_logical3A_613 : i32 to vector<16xi32>
      %shift_right_logical3A_615 = arith.shrui %add3A_602, %shift_right_logical3A_614 : vector<16xi32>
      %add3A_616 = arith.addi %mul3A_612, %shift_right_logical3A_615 : vector<16xi32>
      %swap3A_617 = arith.constant 2 : i32
      %swap3A_618 = arith.index_cast %swap3A_617 : i32 to index
      %swap3A_619 = arith.constant 48 : index
      %swap3A_620 = tpu.vector_load %arg7[%swap3A_618, %swap3A_619] {strides = array<i32>} : memref<5x128xi32, #tpu.memory_space<vmem>>, vector<1x16xi32>,
      %swap3A_621 = vector.shape_cast %swap3A_620 : vector<1x16xi32> to vector<16xi32>
      %swap3A_622 = vector.shape_cast %add3A_616 : vector<16xi32> to vector<1x16xi32>
      tpu.vector_store %arg7[%swap3A_618, %swap3A_619], %swap3A_622 {strides = array<i32>} : memref<5x128xi32, #tpu.memory_space<vmem>>, vector<1x16xi32>,
      %mul3A_623 = arith.constant 128 : i32
      %mul3A_624 = arith.muli %add3A_514, %mul3A_623 : i32
      %add3A_625 = arith.addi %multiple_of3A, %mul3A_624 : i32
      %add3A_626 = arith.constant 64 : i32
      %add3A_627 = arith.addi %add3A_625, %add3A_626 : i32
      %add3A_628 = vector.broadcast %add3A_627 : i32 to vector<16xi32>
      %add3A_629 = arith.addi %add3A_628, %iota3A : vector<16xi32>
      %mul3A_630 = arith.constant 128 : i32
      %mul3A_631 = arith.muli %add3A_514, %mul3A_630 : i32
      %add3A_632 = arith.constant 64 : i32
      %add3A_633 = arith.addi %mul3A_631, %add3A_632 : i32
      %get3A_634 = arith.index_cast %add3A_633 : i32 to index
      %get3A_635 = tpu.vector_load %arg6[%get3A_634] {strides = array<i32>} : memref<16000xi32, #tpu.memory_space<vmem>>, vector<16xi32>,
      %get3A_636 = vector.shape_cast %get3A_635 : vector<16xi32> to vector<16xi32>
      %mul3A_637 = arith.constant 125 : i32
      %mul3A_638 = vector.broadcast %mul3A_637 : i32 to vector<16xi32>
      %mul3A_639 = arith.muli %get3A_636, %mul3A_638 : vector<16xi32>
      %shift_right_logical3A_640 = arith.constant 12 : i32
      %shift_right_logical3A_641 = vector.broadcast %shift_right_logical3A_640 : i32 to vector<16xi32>
      %shift_right_logical3A_642 = arith.shrui %add3A_629, %shift_right_logical3A_641 : vector<16xi32>
      %add3A_643 = arith.addi %mul3A_639, %shift_right_logical3A_642 : vector<16xi32>
      %swap3A_644 = arith.constant 2 : i32
      %swap3A_645 = arith.index_cast %swap3A_644 : i32 to index
      %swap3A_646 = arith.constant 64 : index
      %swap3A_647 = tpu.vector_load %arg7[%swap3A_645, %swap3A_646] {strides = array<i32>} : memref<5x128xi32, #tpu.memory_space<vmem>>, vector<1x16xi32>,
      %swap3A_648 = vector.shape_cast %swap3A_647 : vector<1x16xi32> to vector<16xi32>
      %swap3A_649 = vector.shape_cast %add3A_643 : vector<16xi32> to vector<1x16xi32>
      tpu.vector_store %arg7[%swap3A_645, %swap3A_646], %swap3A_649 {strides = array<i32>} : memref<5x128xi32, #tpu.memory_space<vmem>>, vector<1x16xi32>,
      %mul3A_650 = arith.constant 128 : i32
      %mul3A_651 = arith.muli %add3A_514, %mul3A_650 : i32
      %add3A_652 = arith.addi %multiple_of3A, %mul3A_651 : i32
      %add3A_653 = arith.constant 80 : i32
      %add3A_654 = arith.addi %add3A_652, %add3A_653 : i32
      %add3A_655 = vector.broadcast %add3A_654 : i32 to vector<16xi32>
      %add3A_656 = arith.addi %add3A_655, %iota3A : vector<16xi32>
      %mul3A_657 = arith.constant 128 : i32
      %mul3A_658 = arith.muli %add3A_514, %mul3A_657 : i32
      %add3A_659 = arith.constant 80 : i32
      %add3A_660 = arith.addi %mul3A_658, %add3A_659 : i32
      %get3A_661 = arith.index_cast %add3A_660 : i32 to index
      %get3A_662 = tpu.vector_load %arg6[%get3A_661] {strides = array<i32>} : memref<16000xi32, #tpu.memory_space<vmem>>, vector<16xi32>,
      %get3A_663 = vector.shape_cast %get3A_662 : vector<16xi32> to vector<16xi32>
      %mul3A_664 = arith.constant 125 : i32
      %mul3A_665 = vector.broadcast %mul3A_664 : i32 to vector<16xi32>
      %mul3A_666 = arith.muli %get3A_663, %mul3A_665 : vector<16xi32>
      %shift_right_logical3A_667 = arith.constant 12 : i32
      %shift_right_logical3A_668 = vector.broadcast %shift_right_logical3A_667 : i32 to vector<16xi32>
      %shift_right_logical3A_669 = arith.shrui %add3A_656, %shift_right_logical3A_668 : vector<16xi32>
      %add3A_670 = arith.addi %mul3A_666, %shift_right_logical3A_669 : vector<16xi32>
      %swap3A_671 = arith.constant 2 : i32
      %swap3A_672 = arith.index_cast %swap3A_671 : i32 to index
      %swap3A_673 = arith.constant 80 : index
      %swap3A_674 = tpu.vector_load %arg7[%swap3A_672, %swap3A_673] {strides = array<i32>} : memref<5x128xi32, #tpu.memory_space<vmem>>, vector<1x16xi32>,
      %swap3A_675 = vector.shape_cast %swap3A_674 : vector<1x16xi32> to vector<16xi32>
      %swap3A_676 = vector.shape_cast %add3A_670 : vector<16xi32> to vector<1x16xi32>
      tpu.vector_store %arg7[%swap3A_672, %swap3A_673], %swap3A_676 {strides = array<i32>} : memref<5x128xi32, #tpu.memory_space<vmem>>, vector<1x16xi32>,
      %mul3A_677 = arith.constant 128 : i32
      %mul3A_678 = arith.muli %add3A_514, %mul3A_677 : i32
      %add3A_679 = arith.addi %multiple_of3A, %mul3A_678 : i32
      %add3A_680 = arith.constant 96 : i32
      %add3A_681 = arith.addi %add3A_679, %add3A_680 : i32
      %add3A_682 = vector.broadcast %add3A_681 : i32 to vector<16xi32>
      %add3A_683 = arith.addi %add3A_682, %iota3A : vector<16xi32>
      %mul3A_684 = arith.constant 128 : i32
      %mul3A_685 = arith.muli %add3A_514, %mul3A_684 : i32
      %add3A_686 = arith.constant 96 : i32
      %add3A_687 = arith.addi %mul3A_685, %add3A_686 : i32
      %get3A_688 = arith.index_cast %add3A_687 : i32 to index
      %get3A_689 = tpu.vector_load %arg6[%get3A_688] {strides = array<i32>} : memref<16000xi32, #tpu.memory_space<vmem>>, vector<16xi32>,
      %get3A_690 = vector.shape_cast %get3A_689 : vector<16xi32> to vector<16xi32>
      %mul3A_691 = arith.constant 125 : i32
      %mul3A_692 = vector.broadcast %mul3A_691 : i32 to vector<16xi32>
      %mul3A_693 = arith.muli %get3A_690, %mul3A_692 : vector<16xi32>
      %shift_right_logical3A_694 = arith.constant 12 : i32
      %shift_right_logical3A_695 = vector.broadcast %shift_right_logical3A_694 : i32 to vector<16xi32>
      %shift_right_logical3A_696 = arith.shrui %add3A_683, %shift_right_logical3A_695 : vector<16xi32>
      %add3A_697 = arith.addi %mul3A_693, %shift_right_logical3A_696 : vector<16xi32>
      %swap3A_698 = arith.constant 2 : i32
      %swap3A_699 = arith.index_cast %swap3A_698 : i32 to index
      %swap3A_700 = arith.constant 96 : index
      %swap3A_701 = tpu.vector_load %arg7[%swap3A_699, %swap3A_700] {strides = array<i32>} : memref<5x128xi32, #tpu.memory_space<vmem>>, vector<1x16xi32>,
      %swap3A_702 = vector.shape_cast %swap3A_701 : vector<1x16xi32> to vector<16xi32>
      %swap3A_703 = vector.shape_cast %add3A_697 : vector<16xi32> to vector<1x16xi32>
      tpu.vector_store %arg7[%swap3A_699, %swap3A_700], %swap3A_703 {strides = array<i32>} : memref<5x128xi32, #tpu.memory_space<vmem>>, vector<1x16xi32>,
      %mul3A_704 = arith.constant 128 : i32
      %mul3A_705 = arith.muli %add3A_514, %mul3A_704 : i32
      %add3A_706 = arith.addi %multiple_of3A, %mul3A_705 : i32
      %add3A_707 = arith.constant 112 : i32
      %add3A_708 = arith.addi %add3A_706, %add3A_707 : i32
      %add3A_709 = vector.broadcast %add3A_708 : i32 to vector<16xi32>
      %add3A_710 = arith.addi %add3A_709, %iota3A : vector<16xi32>
      %mul3A_711 = arith.constant 128 : i32
      %mul3A_712 = arith.muli %add3A_514, %mul3A_711 : i32
      %add3A_713 = arith.constant 112 : i32
      %add3A_714 = arith.addi %mul3A_712, %add3A_713 : i32
      %get3A_715 = arith.index_cast %add3A_714 : i32 to index
      %get3A_716 = tpu.vector_load %arg6[%get3A_715] {strides = array<i32>} : memref<16000xi32, #tpu.memory_space<vmem>>, vector<16xi32>,
      %get3A_717 = vector.shape_cast %get3A_716 : vector<16xi32> to vector<16xi32>
      %mul3A_718 = arith.constant 125 : i32
      %mul3A_719 = vector.broadcast %mul3A_718 : i32 to vector<16xi32>
      %mul3A_720 = arith.muli %get3A_717, %mul3A_719 : vector<16xi32>
      %shift_right_logical3A_721 = arith.constant 12 : i32
      %shift_right_logical3A_722 = vector.broadcast %shift_right_logical3A_721 : i32 to vector<16xi32>
      %shift_right_logical3A_723 = arith.shrui %add3A_710, %shift_right_logical3A_722 : vector<16xi32>
      %add3A_724 = arith.addi %mul3A_720, %shift_right_logical3A_723 : vector<16xi32>
      %swap3A_725 = arith.constant 2 : i32
      %swap3A_726 = arith.index_cast %swap3A_725 : i32 to index
      %swap3A_727 = arith.constant 112 : index
      %swap3A_728 = tpu.vector_load %arg7[%swap3A_726, %swap3A_727] {strides = array<i32>} : memref<5x128xi32, #tpu.memory_space<vmem>>, vector<1x16xi32>,
      %swap3A_729 = vector.shape_cast %swap3A_728 : vector<1x16xi32> to vector<16xi32>
      %swap3A_730 = vector.shape_cast %add3A_724 : vector<16xi32> to vector<1x16xi32>
      tpu.vector_store %arg7[%swap3A_726, %swap3A_727], %swap3A_730 {strides = array<i32>} : memref<5x128xi32, #tpu.memory_space<vmem>>, vector<1x16xi32>,
      %dma_start3A_731 = arith.constant 2 : i32
      %dma_start3A_732 = arith.constant 256 : i32
      %dma_start3A_733 = arith.constant 0 : i32
      %dma_start3A_734 = tpu.memref_slice %arg8[%dma_start3A_732, %dma_start3A_733] : memref<640x128xf32, #tpu.memory_space<vmem>> -> memref<128x128xf32, #tpu.memory_space<vmem>>
      %dma_start3A_735 = arith.constant 0 : i32
      %dma_start3A_736 = tpu.memref_slice %arg7[%dma_start3A_731, %dma_start3A_735] : memref<5x128xi32, #tpu.memory_space<vmem>> -> memref<1x128xi32, #tpu.memory_space<vmem>>
      %dma_start3A_737 = tpu.memref_squeeze %dma_start3A_736 : memref<1x128xi32, #tpu.memory_space<vmem>> -> memref<128xi32, #tpu.memory_space<vmem>>
      %dma_start3A_738 = arith.constant 0 : i32
      %dma_start3A_739 = arith.constant 0 : i32
      %dma_start3A_740 = tpu.memref_slice %arg5[%dma_start3A_738, %dma_start3A_739] : memref<3625x128xf32, #tpu.memory_space<vmem_shared>> -> memref<3625x128xf32, #tpu.memory_space<vmem_shared>>
      tpu.enqueue_indirect_dma source(%dma_start3A_740 : memref<3625x128xf32, #tpu.memory_space<vmem_shared>>) target(%dma_start3A_734 : memref<128x128xf32, #tpu.memory_space<vmem>>) offsets(%dma_start3A_737 : memref<128xi32, #tpu.memory_space<vmem>>) semaphore(%arg11 : memref<!tpu.dma_semaphore, #tpu.memory_space<semaphore_mem>>)
      %mul3A_741 = arith.constant 5 : i32
      %mul3A_742 = arith.muli %scan3A_45, %mul3A_741 : i32
      %add3A_743 = arith.constant 3 : i32
      %add3A_744 = arith.addi %mul3A_742, %add3A_743 : i32
      %mul3A_745 = arith.constant 128 : i32
      %mul3A_746 = arith.muli %add3A_744, %mul3A_745 : i32
      %add3A_747 = arith.addi %multiple_of3A, %mul3A_746 : i32
      %add3A_748 = arith.constant 0 : i32
      %add3A_749 = arith.addi %add3A_747, %add3A_748 : i32
      %add3A_750 = vector.broadcast %add3A_749 : i32 to vector<16xi32>
      %add3A_751 = arith.addi %add3A_750, %iota3A : vector<16xi32>
      %mul3A_752 = arith.constant 128 : i32
      %mul3A_753 = arith.muli %add3A_744, %mul3A_752 : i32
      %add3A_754 = arith.constant 0 : i32
      %add3A_755 = arith.addi %mul3A_753, %add3A_754 : i32
      %get3A_756 = arith.index_cast %add3A_755 : i32 to index
      %get3A_757 = tpu.vector_load %arg6[%get3A_756] {strides = array<i32>} : memref<16000xi32, #tpu.memory_space<vmem>>, vector<16xi32>,
      %get3A_758 = vector.shape_cast %get3A_757 : vector<16xi32> to vector<16xi32>
      %mul3A_759 = arith.constant 125 : i32
      %mul3A_760 = vector.broadcast %mul3A_759 : i32 to vector<16xi32>
      %mul3A_761 = arith.muli %get3A_758, %mul3A_760 : vector<16xi32>
      %shift_right_logical3A_762 = arith.constant 12 : i32
      %shift_right_logical3A_763 = vector.broadcast %shift_right_logical3A_762 : i32 to vector<16xi32>
      %shift_right_logical3A_764 = arith.shrui %add3A_751, %shift_right_logical3A_763 : vector<16xi32>
      %add3A_765 = arith.addi %mul3A_761, %shift_right_logical3A_764 : vector<16xi32>
      %swap3A_766 = arith.constant 3 : i32
      %swap3A_767 = arith.index_cast %swap3A_766 : i32 to index
      %swap3A_768 = arith.constant 0 : index
      %swap3A_769 = tpu.vector_load %arg7[%swap3A_767, %swap3A_768] {strides = array<i32>} : memref<5x128xi32, #tpu.memory_space<vmem>>, vector<1x16xi32>,
      %swap3A_770 = vector.shape_cast %swap3A_769 : vector<1x16xi32> to vector<16xi32>
      %swap3A_771 = vector.shape_cast %add3A_765 : vector<16xi32> to vector<1x16xi32>
      tpu.vector_store %arg7[%swap3A_767, %swap3A_768], %swap3A_771 {strides = array<i32>} : memref<5x128xi32, #tpu.memory_space<vmem>>, vector<1x16xi32>,
      %mul3A_772 = arith.constant 128 : i32
      %mul3A_773 = arith.muli %add3A_744, %mul3A_772 : i32
      %add3A_774 = arith.addi %multiple_of3A, %mul3A_773 : i32
      %add3A_775 = arith.constant 16 : i32
      %add3A_776 = arith.addi %add3A_774, %add3A_775 : i32
      %add3A_777 = vector.broadcast %add3A_776 : i32 to vector<16xi32>
      %add3A_778 = arith.addi %add3A_777, %iota3A : vector<16xi32>
      %mul3A_779 = arith.constant 128 : i32
      %mul3A_780 = arith.muli %add3A_744, %mul3A_779 : i32
      %add3A_781 = arith.constant 16 : i32
      %add3A_782 = arith.addi %mul3A_780, %add3A_781 : i32
      %get3A_783 = arith.index_cast %add3A_782 : i32 to index
      %get3A_784 = tpu.vector_load %arg6[%get3A_783] {strides = array<i32>} : memref<16000xi32, #tpu.memory_space<vmem>>, vector<16xi32>,
      %get3A_785 = vector.shape_cast %get3A_784 : vector<16xi32> to vector<16xi32>
      %mul3A_786 = arith.constant 125 : i32
      %mul3A_787 = vector.broadcast %mul3A_786 : i32 to vector<16xi32>
      %mul3A_788 = arith.muli %get3A_785, %mul3A_787 : vector<16xi32>
      %shift_right_logical3A_789 = arith.constant 12 : i32
      %shift_right_logical3A_790 = vector.broadcast %shift_right_logical3A_789 : i32 to vector<16xi32>
      %shift_right_logical3A_791 = arith.shrui %add3A_778, %shift_right_logical3A_790 : vector<16xi32>
      %add3A_792 = arith.addi %mul3A_788, %shift_right_logical3A_791 : vector<16xi32>
      %swap3A_793 = arith.constant 3 : i32
      %swap3A_794 = arith.index_cast %swap3A_793 : i32 to index
      %swap3A_795 = arith.constant 16 : index
      %swap3A_796 = tpu.vector_load %arg7[%swap3A_794, %swap3A_795] {strides = array<i32>} : memref<5x128xi32, #tpu.memory_space<vmem>>, vector<1x16xi32>,
      %swap3A_797 = vector.shape_cast %swap3A_796 : vector<1x16xi32> to vector<16xi32>
      %swap3A_798 = vector.shape_cast %add3A_792 : vector<16xi32> to vector<1x16xi32>
      tpu.vector_store %arg7[%swap3A_794, %swap3A_795], %swap3A_798 {strides = array<i32>} : memref<5x128xi32, #tpu.memory_space<vmem>>, vector<1x16xi32>,
      %mul3A_799 = arith.constant 128 : i32
      %mul3A_800 = arith.muli %add3A_744, %mul3A_799 : i32
      %add3A_801 = arith.addi %multiple_of3A, %mul3A_800 : i32
      %add3A_802 = arith.constant 32 : i32
      %add3A_803 = arith.addi %add3A_801, %add3A_802 : i32
      %add3A_804 = vector.broadcast %add3A_803 : i32 to vector<16xi32>
      %add3A_805 = arith.addi %add3A_804, %iota3A : vector<16xi32>
      %mul3A_806 = arith.constant 128 : i32
      %mul3A_807 = arith.muli %add3A_744, %mul3A_806 : i32
      %add3A_808 = arith.constant 32 : i32
      %add3A_809 = arith.addi %mul3A_807, %add3A_808 : i32
      %get3A_810 = arith.index_cast %add3A_809 : i32 to index
      %get3A_811 = tpu.vector_load %arg6[%get3A_810] {strides = array<i32>} : memref<16000xi32, #tpu.memory_space<vmem>>, vector<16xi32>,
      %get3A_812 = vector.shape_cast %get3A_811 : vector<16xi32> to vector<16xi32>
      %mul3A_813 = arith.constant 125 : i32
      %mul3A_814 = vector.broadcast %mul3A_813 : i32 to vector<16xi32>
      %mul3A_815 = arith.muli %get3A_812, %mul3A_814 : vector<16xi32>
      %shift_right_logical3A_816 = arith.constant 12 : i32
      %shift_right_logical3A_817 = vector.broadcast %shift_right_logical3A_816 : i32 to vector<16xi32>
      %shift_right_logical3A_818 = arith.shrui %add3A_805, %shift_right_logical3A_817 : vector<16xi32>
      %add3A_819 = arith.addi %mul3A_815, %shift_right_logical3A_818 : vector<16xi32>
      %swap3A_820 = arith.constant 3 : i32
      %swap3A_821 = arith.index_cast %swap3A_820 : i32 to index
      %swap3A_822 = arith.constant 32 : index
      %swap3A_823 = tpu.vector_load %arg7[%swap3A_821, %swap3A_822] {strides = array<i32>} : memref<5x128xi32, #tpu.memory_space<vmem>>, vector<1x16xi32>,
      %swap3A_824 = vector.shape_cast %swap3A_823 : vector<1x16xi32> to vector<16xi32>
      %swap3A_825 = vector.shape_cast %add3A_819 : vector<16xi32> to vector<1x16xi32>
      tpu.vector_store %arg7[%swap3A_821, %swap3A_822], %swap3A_825 {strides = array<i32>} : memref<5x128xi32, #tpu.memory_space<vmem>>, vector<1x16xi32>,
      %mul3A_826 = arith.constant 128 : i32
      %mul3A_827 = arith.muli %add3A_744, %mul3A_826 : i32
      %add3A_828 = arith.addi %multiple_of3A, %mul3A_827 : i32
      %add3A_829 = arith.constant 48 : i32
      %add3A_830 = arith.addi %add3A_828, %add3A_829 : i32
      %add3A_831 = vector.broadcast %add3A_830 : i32 to vector<16xi32>
      %add3A_832 = arith.addi %add3A_831, %iota3A : vector<16xi32>
      %mul3A_833 = arith.constant 128 : i32
      %mul3A_834 = arith.muli %add3A_744, %mul3A_833 : i32
      %add3A_835 = arith.constant 48 : i32
      %add3A_836 = arith.addi %mul3A_834, %add3A_835 : i32
      %get3A_837 = arith.index_cast %add3A_836 : i32 to index
      %get3A_838 = tpu.vector_load %arg6[%get3A_837] {strides = array<i32>} : memref<16000xi32, #tpu.memory_space<vmem>>, vector<16xi32>,
      %get3A_839 = vector.shape_cast %get3A_838 : vector<16xi32> to vector<16xi32>
      %mul3A_840 = arith.constant 125 : i32
      %mul3A_841 = vector.broadcast %mul3A_840 : i32 to vector<16xi32>
      %mul3A_842 = arith.muli %get3A_839, %mul3A_841 : vector<16xi32>
      %shift_right_logical3A_843 = arith.constant 12 : i32
      %shift_right_logical3A_844 = vector.broadcast %shift_right_logical3A_843 : i32 to vector<16xi32>
      %shift_right_logical3A_845 = arith.shrui %add3A_832, %shift_right_logical3A_844 : vector<16xi32>
      %add3A_846 = arith.addi %mul3A_842, %shift_right_logical3A_845 : vector<16xi32>
      %swap3A_847 = arith.constant 3 : i32
      %swap3A_848 = arith.index_cast %swap3A_847 : i32 to index
      %swap3A_849 = arith.constant 48 : index
      %swap3A_850 = tpu.vector_load %arg7[%swap3A_848, %swap3A_849] {strides = array<i32>} : memref<5x128xi32, #tpu.memory_space<vmem>>, vector<1x16xi32>,
      %swap3A_851 = vector.shape_cast %swap3A_850 : vector<1x16xi32> to vector<16xi32>
      %swap3A_852 = vector.shape_cast %add3A_846 : vector<16xi32> to vector<1x16xi32>
      tpu.vector_store %arg7[%swap3A_848, %swap3A_849], %swap3A_852 {strides = array<i32>} : memref<5x128xi32, #tpu.memory_space<vmem>>, vector<1x16xi32>,
      %mul3A_853 = arith.constant 128 : i32
      %mul3A_854 = arith.muli %add3A_744, %mul3A_853 : i32
      %add3A_855 = arith.addi %multiple_of3A, %mul3A_854 : i32
      %add3A_856 = arith.constant 64 : i32
      %add3A_857 = arith.addi %add3A_855, %add3A_856 : i32
      %add3A_858 = vector.broadcast %add3A_857 : i32 to vector<16xi32>
      %add3A_859 = arith.addi %add3A_858, %iota3A : vector<16xi32>
      %mul3A_860 = arith.constant 128 : i32
      %mul3A_861 = arith.muli %add3A_744, %mul3A_860 : i32
      %add3A_862 = arith.constant 64 : i32
      %add3A_863 = arith.addi %mul3A_861, %add3A_862 : i32
      %get3A_864 = arith.index_cast %add3A_863 : i32 to index
      %get3A_865 = tpu.vector_load %arg6[%get3A_864] {strides = array<i32>} : memref<16000xi32, #tpu.memory_space<vmem>>, vector<16xi32>,
      %get3A_866 = vector.shape_cast %get3A_865 : vector<16xi32> to vector<16xi32>
      %mul3A_867 = arith.constant 125 : i32
      %mul3A_868 = vector.broadcast %mul3A_867 : i32 to vector<16xi32>
      %mul3A_869 = arith.muli %get3A_866, %mul3A_868 : vector<16xi32>
      %shift_right_logical3A_870 = arith.constant 12 : i32
      %shift_right_logical3A_871 = vector.broadcast %shift_right_logical3A_870 : i32 to vector<16xi32>
      %shift_right_logical3A_872 = arith.shrui %add3A_859, %shift_right_logical3A_871 : vector<16xi32>
      %add3A_873 = arith.addi %mul3A_869, %shift_right_logical3A_872 : vector<16xi32>
      %swap3A_874 = arith.constant 3 : i32
      %swap3A_875 = arith.index_cast %swap3A_874 : i32 to index
      %swap3A_876 = arith.constant 64 : index
      %swap3A_877 = tpu.vector_load %arg7[%swap3A_875, %swap3A_876] {strides = array<i32>} : memref<5x128xi32, #tpu.memory_space<vmem>>, vector<1x16xi32>,
      %swap3A_878 = vector.shape_cast %swap3A_877 : vector<1x16xi32> to vector<16xi32>
      %swap3A_879 = vector.shape_cast %add3A_873 : vector<16xi32> to vector<1x16xi32>
      tpu.vector_store %arg7[%swap3A_875, %swap3A_876], %swap3A_879 {strides = array<i32>} : memref<5x128xi32, #tpu.memory_space<vmem>>, vector<1x16xi32>,
      %mul3A_880 = arith.constant 128 : i32
      %mul3A_881 = arith.muli %add3A_744, %mul3A_880 : i32
      %add3A_882 = arith.addi %multiple_of3A, %mul3A_881 : i32
      %add3A_883 = arith.constant 80 : i32
      %add3A_884 = arith.addi %add3A_882, %add3A_883 : i32
      %add3A_885 = vector.broadcast %add3A_884 : i32 to vector<16xi32>
      %add3A_886 = arith.addi %add3A_885, %iota3A : vector<16xi32>
      %mul3A_887 = arith.constant 128 : i32
      %mul3A_888 = arith.muli %add3A_744, %mul3A_887 : i32
      %add3A_889 = arith.constant 80 : i32
      %add3A_890 = arith.addi %mul3A_888, %add3A_889 : i32
      %get3A_891 = arith.index_cast %add3A_890 : i32 to index
      %get3A_892 = tpu.vector_load %arg6[%get3A_891] {strides = array<i32>} : memref<16000xi32, #tpu.memory_space<vmem>>, vector<16xi32>,
      %get3A_893 = vector.shape_cast %get3A_892 : vector<16xi32> to vector<16xi32>
      %mul3A_894 = arith.constant 125 : i32
      %mul3A_895 = vector.broadcast %mul3A_894 : i32 to vector<16xi32>
      %mul3A_896 = arith.muli %get3A_893, %mul3A_895 : vector<16xi32>
      %shift_right_logical3A_897 = arith.constant 12 : i32
      %shift_right_logical3A_898 = vector.broadcast %shift_right_logical3A_897 : i32 to vector<16xi32>
      %shift_right_logical3A_899 = arith.shrui %add3A_886, %shift_right_logical3A_898 : vector<16xi32>
      %add3A_900 = arith.addi %mul3A_896, %shift_right_logical3A_899 : vector<16xi32>
      %swap3A_901 = arith.constant 3 : i32
      %swap3A_902 = arith.index_cast %swap3A_901 : i32 to index
      %swap3A_903 = arith.constant 80 : index
      %swap3A_904 = tpu.vector_load %arg7[%swap3A_902, %swap3A_903] {strides = array<i32>} : memref<5x128xi32, #tpu.memory_space<vmem>>, vector<1x16xi32>,
      %swap3A_905 = vector.shape_cast %swap3A_904 : vector<1x16xi32> to vector<16xi32>
      %swap3A_906 = vector.shape_cast %add3A_900 : vector<16xi32> to vector<1x16xi32>
      tpu.vector_store %arg7[%swap3A_902, %swap3A_903], %swap3A_906 {strides = array<i32>} : memref<5x128xi32, #tpu.memory_space<vmem>>, vector<1x16xi32>,
      %mul3A_907 = arith.constant 128 : i32
      %mul3A_908 = arith.muli %add3A_744, %mul3A_907 : i32
      %add3A_909 = arith.addi %multiple_of3A, %mul3A_908 : i32
      %add3A_910 = arith.constant 96 : i32
      %add3A_911 = arith.addi %add3A_909, %add3A_910 : i32
      %add3A_912 = vector.broadcast %add3A_911 : i32 to vector<16xi32>
      %add3A_913 = arith.addi %add3A_912, %iota3A : vector<16xi32>
      %mul3A_914 = arith.constant 128 : i32
      %mul3A_915 = arith.muli %add3A_744, %mul3A_914 : i32
      %add3A_916 = arith.constant 96 : i32
      %add3A_917 = arith.addi %mul3A_915, %add3A_916 : i32
      %get3A_918 = arith.index_cast %add3A_917 : i32 to index
      %get3A_919 = tpu.vector_load %arg6[%get3A_918] {strides = array<i32>} : memref<16000xi32, #tpu.memory_space<vmem>>, vector<16xi32>,
      %get3A_920 = vector.shape_cast %get3A_919 : vector<16xi32> to vector<16xi32>
      %mul3A_921 = arith.constant 125 : i32
      %mul3A_922 = vector.broadcast %mul3A_921 : i32 to vector<16xi32>
      %mul3A_923 = arith.muli %get3A_920, %mul3A_922 : vector<16xi32>
      %shift_right_logical3A_924 = arith.constant 12 : i32
      %shift_right_logical3A_925 = vector.broadcast %shift_right_logical3A_924 : i32 to vector<16xi32>
      %shift_right_logical3A_926 = arith.shrui %add3A_913, %shift_right_logical3A_925 : vector<16xi32>
      %add3A_927 = arith.addi %mul3A_923, %shift_right_logical3A_926 : vector<16xi32>
      %swap3A_928 = arith.constant 3 : i32
      %swap3A_929 = arith.index_cast %swap3A_928 : i32 to index
      %swap3A_930 = arith.constant 96 : index
      %swap3A_931 = tpu.vector_load %arg7[%swap3A_929, %swap3A_930] {strides = array<i32>} : memref<5x128xi32, #tpu.memory_space<vmem>>, vector<1x16xi32>,
      %swap3A_932 = vector.shape_cast %swap3A_931 : vector<1x16xi32> to vector<16xi32>
      %swap3A_933 = vector.shape_cast %add3A_927 : vector<16xi32> to vector<1x16xi32>
      tpu.vector_store %arg7[%swap3A_929, %swap3A_930], %swap3A_933 {strides = array<i32>} : memref<5x128xi32, #tpu.memory_space<vmem>>, vector<1x16xi32>,
      %mul3A_934 = arith.constant 128 : i32
      %mul3A_935 = arith.muli %add3A_744, %mul3A_934 : i32
      %add3A_936 = arith.addi %multiple_of3A, %mul3A_935 : i32
      %add3A_937 = arith.constant 112 : i32
      %add3A_938 = arith.addi %add3A_936, %add3A_937 : i32
      %add3A_939 = vector.broadcast %add3A_938 : i32 to vector<16xi32>
      %add3A_940 = arith.addi %add3A_939, %iota3A : vector<16xi32>
      %mul3A_941 = arith.constant 128 : i32
      %mul3A_942 = arith.muli %add3A_744, %mul3A_941 : i32
      %add3A_943 = arith.constant 112 : i32
      %add3A_944 = arith.addi %mul3A_942, %add3A_943 : i32
      %get3A_945 = arith.index_cast %add3A_944 : i32 to index
      %get3A_946 = tpu.vector_load %arg6[%get3A_945] {strides = array<i32>} : memref<16000xi32, #tpu.memory_space<vmem>>, vector<16xi32>,
      %get3A_947 = vector.shape_cast %get3A_946 : vector<16xi32> to vector<16xi32>
      %mul3A_948 = arith.constant 125 : i32
      %mul3A_949 = vector.broadcast %mul3A_948 : i32 to vector<16xi32>
      %mul3A_950 = arith.muli %get3A_947, %mul3A_949 : vector<16xi32>
      %shift_right_logical3A_951 = arith.constant 12 : i32
      %shift_right_logical3A_952 = vector.broadcast %shift_right_logical3A_951 : i32 to vector<16xi32>
      %shift_right_logical3A_953 = arith.shrui %add3A_940, %shift_right_logical3A_952 : vector<16xi32>
      %add3A_954 = arith.addi %mul3A_950, %shift_right_logical3A_953 : vector<16xi32>
      %swap3A_955 = arith.constant 3 : i32
      %swap3A_956 = arith.index_cast %swap3A_955 : i32 to index
      %swap3A_957 = arith.constant 112 : index
      %swap3A_958 = tpu.vector_load %arg7[%swap3A_956, %swap3A_957] {strides = array<i32>} : memref<5x128xi32, #tpu.memory_space<vmem>>, vector<1x16xi32>,
      %swap3A_959 = vector.shape_cast %swap3A_958 : vector<1x16xi32> to vector<16xi32>
      %swap3A_960 = vector.shape_cast %add3A_954 : vector<16xi32> to vector<1x16xi32>
      tpu.vector_store %arg7[%swap3A_956, %swap3A_957], %swap3A_960 {strides = array<i32>} : memref<5x128xi32, #tpu.memory_space<vmem>>, vector<1x16xi32>,
      %dma_start3A_961 = arith.constant 3 : i32
      %dma_start3A_962 = arith.constant 384 : i32
      %dma_start3A_963 = arith.constant 0 : i32
      %dma_start3A_964 = tpu.memref_slice %arg8[%dma_start3A_962, %dma_start3A_963] : memref<640x128xf32, #tpu.memory_space<vmem>> -> memref<128x128xf32, #tpu.memory_space<vmem>>
      %dma_start3A_965 = arith.constant 0 : i32
      %dma_start3A_966 = tpu.memref_slice %arg7[%dma_start3A_961, %dma_start3A_965] : memref<5x128xi32, #tpu.memory_space<vmem>> -> memref<1x128xi32, #tpu.memory_space<vmem>>
      %dma_start3A_967 = tpu.memref_squeeze %dma_start3A_966 : memref<1x128xi32, #tpu.memory_space<vmem>> -> memref<128xi32, #tpu.memory_space<vmem>>
      %dma_start3A_968 = arith.constant 0 : i32
      %dma_start3A_969 = arith.constant 0 : i32
      %dma_start3A_970 = tpu.memref_slice %arg5[%dma_start3A_968, %dma_start3A_969] : memref<3625x128xf32, #tpu.memory_space<vmem_shared>> -> memref<3625x128xf32, #tpu.memory_space<vmem_shared>>
      tpu.enqueue_indirect_dma source(%dma_start3A_970 : memref<3625x128xf32, #tpu.memory_space<vmem_shared>>) target(%dma_start3A_964 : memref<128x128xf32, #tpu.memory_space<vmem>>) offsets(%dma_start3A_967 : memref<128xi32, #tpu.memory_space<vmem>>) semaphore(%arg12 : memref<!tpu.dma_semaphore, #tpu.memory_space<semaphore_mem>>)
      %gt3A_971 = arith.constant 0 : i32
      %gt3A_972 = arith.cmpi sgt, %scan3A_45, %gt3A_971 : i32
      %convert_element_type3A_973 = arith.extui %gt3A_972 : i1 to i32
      %cond3A_974 = arith.constant 0 : i32
      %cond3A_975 = arith.cmpi ne, %convert_element_type3A_973, %cond3A_974 : i32
      scf.if %cond3A_975 {
        %dma_wait3A_1310 = arith.constant 512 : i32
        %dma_wait3A_1311 = arith.constant 0 : i32
        %dma_wait3A_1312 = tpu.memref_slice %arg8[%dma_wait3A_1310, %dma_wait3A_1311] : memref<640x128xf32, #tpu.memory_space<vmem>> -> memref<128x128xf32, #tpu.memory_space<vmem>>
        %dma_wait3A_1313 = arith.constant 0 : i32
        %dma_wait3A_1314 = arith.constant 0 : i32
        %dma_wait3A_1315 = tpu.memref_slice %arg4[%dma_wait3A_1313, %dma_wait3A_1314] : memref<512000x128xf32, #tpu.memory_space<hbm>> -> memref<128x128xf32, #tpu.memory_space<hbm>>
        %dma_wait3A_1316 = arith.constant 0 : i32
        %dma_wait3A_1317 = arith.constant 0 : i32
        %dma_wait3A_1318 = tpu.memref_slice %arg4[%dma_wait3A_1316, %dma_wait3A_1317] : memref<512000x128xf32, #tpu.memory_space<hbm>> -> memref<128x128xf32, #tpu.memory_space<hbm>>
        %dma_wait3A_1319 = arith.constant 512 : i32
        %dma_wait3A_1320 = arith.constant 0 : i32
        %dma_wait3A_1321 = tpu.memref_slice %arg8[%dma_wait3A_1319, %dma_wait3A_1320] : memref<640x128xf32, #tpu.memory_space<vmem>> -> memref<128x128xf32, #tpu.memory_space<vmem>>
        tpu.wait_dma2 semaphore(%arg16 : memref<!tpu.dma_semaphore, #tpu.memory_space<semaphore_mem>>) src(%dma_wait3A_1321 : memref<128x128xf32, #tpu.memory_space<vmem>>) dst(%dma_wait3A_1318 : memref<128x128xf32, #tpu.memory_space<hbm>>)
      } else {
      }
      %mul3A_976 = arith.constant 5 : i32
      %mul3A_977 = arith.muli %scan3A_45, %mul3A_976 : i32
      %add3A_978 = arith.constant 4 : i32
      %add3A_979 = arith.addi %mul3A_977, %add3A_978 : i32
      %mul3A_980 = arith.constant 128 : i32
      %mul3A_981 = arith.muli %add3A_979, %mul3A_980 : i32
      %add3A_982 = arith.addi %multiple_of3A, %mul3A_981 : i32
      %add3A_983 = arith.constant 0 : i32
      %add3A_984 = arith.addi %add3A_982, %add3A_983 : i32
      %add3A_985 = vector.broadcast %add3A_984 : i32 to vector<16xi32>
      %add3A_986 = arith.addi %add3A_985, %iota3A : vector<16xi32>
      %mul3A_987 = arith.constant 128 : i32
      %mul3A_988 = arith.muli %add3A_979, %mul3A_987 : i32
      %add3A_989 = arith.constant 0 : i32
      %add3A_990 = arith.addi %mul3A_988, %add3A_989 : i32
      %get3A_991 = arith.index_cast %add3A_990 : i32 to index
      %get3A_992 = tpu.vector_load %arg6[%get3A_991] {strides = array<i32>} : memref<16000xi32, #tpu.memory_space<vmem>>, vector<16xi32>,
      %get3A_993 = vector.shape_cast %get3A_992 : vector<16xi32> to vector<16xi32>
      %mul3A_994 = arith.constant 125 : i32
      %mul3A_995 = vector.broadcast %mul3A_994 : i32 to vector<16xi32>
      %mul3A_996 = arith.muli %get3A_993, %mul3A_995 : vector<16xi32>
      %shift_right_logical3A_997 = arith.constant 12 : i32
      %shift_right_logical3A_998 = vector.broadcast %shift_right_logical3A_997 : i32 to vector<16xi32>
      %shift_right_logical3A_999 = arith.shrui %add3A_986, %shift_right_logical3A_998 : vector<16xi32>
      %add3A_1000 = arith.addi %mul3A_996, %shift_right_logical3A_999 : vector<16xi32>
      %swap3A_1001 = arith.constant 4 : i32
      %swap3A_1002 = arith.index_cast %swap3A_1001 : i32 to index
      %swap3A_1003 = arith.constant 0 : index
      %swap3A_1004 = tpu.vector_load %arg7[%swap3A_1002, %swap3A_1003] {strides = array<i32>} : memref<5x128xi32, #tpu.memory_space<vmem>>, vector<1x16xi32>,
      %swap3A_1005 = vector.shape_cast %swap3A_1004 : vector<1x16xi32> to vector<16xi32>
      %swap3A_1006 = vector.shape_cast %add3A_1000 : vector<16xi32> to vector<1x16xi32>
      tpu.vector_store %arg7[%swap3A_1002, %swap3A_1003], %swap3A_1006 {strides = array<i32>} : memref<5x128xi32, #tpu.memory_space<vmem>>, vector<1x16xi32>,
      %mul3A_1007 = arith.constant 128 : i32
      %mul3A_1008 = arith.muli %add3A_979, %mul3A_1007 : i32
      %add3A_1009 = arith.addi %multiple_of3A, %mul3A_1008 : i32
      %add3A_1010 = arith.constant 16 : i32
      %add3A_1011 = arith.addi %add3A_1009, %add3A_1010 : i32
      %add3A_1012 = vector.broadcast %add3A_1011 : i32 to vector<16xi32>
      %add3A_1013 = arith.addi %add3A_1012, %iota3A : vector<16xi32>
      %mul3A_1014 = arith.constant 128 : i32
      %mul3A_1015 = arith.muli %add3A_979, %mul3A_1014 : i32
      %add3A_1016 = arith.constant 16 : i32
      %add3A_1017 = arith.addi %mul3A_1015, %add3A_1016 : i32
      %get3A_1018 = arith.index_cast %add3A_1017 : i32 to index
      %get3A_1019 = tpu.vector_load %arg6[%get3A_1018] {strides = array<i32>} : memref<16000xi32, #tpu.memory_space<vmem>>, vector<16xi32>,
      %get3A_1020 = vector.shape_cast %get3A_1019 : vector<16xi32> to vector<16xi32>
      %mul3A_1021 = arith.constant 125 : i32
      %mul3A_1022 = vector.broadcast %mul3A_1021 : i32 to vector<16xi32>
      %mul3A_1023 = arith.muli %get3A_1020, %mul3A_1022 : vector<16xi32>
      %shift_right_logical3A_1024 = arith.constant 12 : i32
      %shift_right_logical3A_1025 = vector.broadcast %shift_right_logical3A_1024 : i32 to vector<16xi32>
      %shift_right_logical3A_1026 = arith.shrui %add3A_1013, %shift_right_logical3A_1025 : vector<16xi32>
      %add3A_1027 = arith.addi %mul3A_1023, %shift_right_logical3A_1026 : vector<16xi32>
      %swap3A_1028 = arith.constant 4 : i32
      %swap3A_1029 = arith.index_cast %swap3A_1028 : i32 to index
      %swap3A_1030 = arith.constant 16 : index
      %swap3A_1031 = tpu.vector_load %arg7[%swap3A_1029, %swap3A_1030] {strides = array<i32>} : memref<5x128xi32, #tpu.memory_space<vmem>>, vector<1x16xi32>,
      %swap3A_1032 = vector.shape_cast %swap3A_1031 : vector<1x16xi32> to vector<16xi32>
      %swap3A_1033 = vector.shape_cast %add3A_1027 : vector<16xi32> to vector<1x16xi32>
      tpu.vector_store %arg7[%swap3A_1029, %swap3A_1030], %swap3A_1033 {strides = array<i32>} : memref<5x128xi32, #tpu.memory_space<vmem>>, vector<1x16xi32>,
      %mul3A_1034 = arith.constant 128 : i32
      %mul3A_1035 = arith.muli %add3A_979, %mul3A_1034 : i32
      %add3A_1036 = arith.addi %multiple_of3A, %mul3A_1035 : i32
      %add3A_1037 = arith.constant 32 : i32
      %add3A_1038 = arith.addi %add3A_1036, %add3A_1037 : i32
      %add3A_1039 = vector.broadcast %add3A_1038 : i32 to vector<16xi32>
      %add3A_1040 = arith.addi %add3A_1039, %iota3A : vector<16xi32>
      %mul3A_1041 = arith.constant 128 : i32
      %mul3A_1042 = arith.muli %add3A_979, %mul3A_1041 : i32
      %add3A_1043 = arith.constant 32 : i32
      %add3A_1044 = arith.addi %mul3A_1042, %add3A_1043 : i32
      %get3A_1045 = arith.index_cast %add3A_1044 : i32 to index
      %get3A_1046 = tpu.vector_load %arg6[%get3A_1045] {strides = array<i32>} : memref<16000xi32, #tpu.memory_space<vmem>>, vector<16xi32>,
      %get3A_1047 = vector.shape_cast %get3A_1046 : vector<16xi32> to vector<16xi32>
      %mul3A_1048 = arith.constant 125 : i32
      %mul3A_1049 = vector.broadcast %mul3A_1048 : i32 to vector<16xi32>
      %mul3A_1050 = arith.muli %get3A_1047, %mul3A_1049 : vector<16xi32>
      %shift_right_logical3A_1051 = arith.constant 12 : i32
      %shift_right_logical3A_1052 = vector.broadcast %shift_right_logical3A_1051 : i32 to vector<16xi32>
      %shift_right_logical3A_1053 = arith.shrui %add3A_1040, %shift_right_logical3A_1052 : vector<16xi32>
      %add3A_1054 = arith.addi %mul3A_1050, %shift_right_logical3A_1053 : vector<16xi32>
      %swap3A_1055 = arith.constant 4 : i32
      %swap3A_1056 = arith.index_cast %swap3A_1055 : i32 to index
      %swap3A_1057 = arith.constant 32 : index
      %swap3A_1058 = tpu.vector_load %arg7[%swap3A_1056, %swap3A_1057] {strides = array<i32>} : memref<5x128xi32, #tpu.memory_space<vmem>>, vector<1x16xi32>,
      %swap3A_1059 = vector.shape_cast %swap3A_1058 : vector<1x16xi32> to vector<16xi32>
      %swap3A_1060 = vector.shape_cast %add3A_1054 : vector<16xi32> to vector<1x16xi32>
      tpu.vector_store %arg7[%swap3A_1056, %swap3A_1057], %swap3A_1060 {strides = array<i32>} : memref<5x128xi32, #tpu.memory_space<vmem>>, vector<1x16xi32>,
      %mul3A_1061 = arith.constant 128 : i32
      %mul3A_1062 = arith.muli %add3A_979, %mul3A_1061 : i32
      %add3A_1063 = arith.addi %multiple_of3A, %mul3A_1062 : i32
      %add3A_1064 = arith.constant 48 : i32
      %add3A_1065 = arith.addi %add3A_1063, %add3A_1064 : i32
      %add3A_1066 = vector.broadcast %add3A_1065 : i32 to vector<16xi32>
      %add3A_1067 = arith.addi %add3A_1066, %iota3A : vector<16xi32>
      %mul3A_1068 = arith.constant 128 : i32
      %mul3A_1069 = arith.muli %add3A_979, %mul3A_1068 : i32
      %add3A_1070 = arith.constant 48 : i32
      %add3A_1071 = arith.addi %mul3A_1069, %add3A_1070 : i32
      %get3A_1072 = arith.index_cast %add3A_1071 : i32 to index
      %get3A_1073 = tpu.vector_load %arg6[%get3A_1072] {strides = array<i32>} : memref<16000xi32, #tpu.memory_space<vmem>>, vector<16xi32>,
      %get3A_1074 = vector.shape_cast %get3A_1073 : vector<16xi32> to vector<16xi32>
      %mul3A_1075 = arith.constant 125 : i32
      %mul3A_1076 = vector.broadcast %mul3A_1075 : i32 to vector<16xi32>
      %mul3A_1077 = arith.muli %get3A_1074, %mul3A_1076 : vector<16xi32>
      %shift_right_logical3A_1078 = arith.constant 12 : i32
      %shift_right_logical3A_1079 = vector.broadcast %shift_right_logical3A_1078 : i32 to vector<16xi32>
      %shift_right_logical3A_1080 = arith.shrui %add3A_1067, %shift_right_logical3A_1079 : vector<16xi32>
      %add3A_1081 = arith.addi %mul3A_1077, %shift_right_logical3A_1080 : vector<16xi32>
      %swap3A_1082 = arith.constant 4 : i32
      %swap3A_1083 = arith.index_cast %swap3A_1082 : i32 to index
      %swap3A_1084 = arith.constant 48 : index
      %swap3A_1085 = tpu.vector_load %arg7[%swap3A_1083, %swap3A_1084] {strides = array<i32>} : memref<5x128xi32, #tpu.memory_space<vmem>>, vector<1x16xi32>,
      %swap3A_1086 = vector.shape_cast %swap3A_1085 : vector<1x16xi32> to vector<16xi32>
      %swap3A_1087 = vector.shape_cast %add3A_1081 : vector<16xi32> to vector<1x16xi32>
      tpu.vector_store %arg7[%swap3A_1083, %swap3A_1084], %swap3A_1087 {strides = array<i32>} : memref<5x128xi32, #tpu.memory_space<vmem>>, vector<1x16xi32>,
      %mul3A_1088 = arith.constant 128 : i32
      %mul3A_1089 = arith.muli %add3A_979, %mul3A_1088 : i32
      %add3A_1090 = arith.addi %multiple_of3A, %mul3A_1089 : i32
      %add3A_1091 = arith.constant 64 : i32
      %add3A_1092 = arith.addi %add3A_1090, %add3A_1091 : i32
      %add3A_1093 = vector.broadcast %add3A_1092 : i32 to vector<16xi32>
      %add3A_1094 = arith.addi %add3A_1093, %iota3A : vector<16xi32>
      %mul3A_1095 = arith.constant 128 : i32
      %mul3A_1096 = arith.muli %add3A_979, %mul3A_1095 : i32
      %add3A_1097 = arith.constant 64 : i32
      %add3A_1098 = arith.addi %mul3A_1096, %add3A_1097 : i32
      %get3A_1099 = arith.index_cast %add3A_1098 : i32 to index
      %get3A_1100 = tpu.vector_load %arg6[%get3A_1099] {strides = array<i32>} : memref<16000xi32, #tpu.memory_space<vmem>>, vector<16xi32>,
      %get3A_1101 = vector.shape_cast %get3A_1100 : vector<16xi32> to vector<16xi32>
      %mul3A_1102 = arith.constant 125 : i32
      %mul3A_1103 = vector.broadcast %mul3A_1102 : i32 to vector<16xi32>
      %mul3A_1104 = arith.muli %get3A_1101, %mul3A_1103 : vector<16xi32>
      %shift_right_logical3A_1105 = arith.constant 12 : i32
      %shift_right_logical3A_1106 = vector.broadcast %shift_right_logical3A_1105 : i32 to vector<16xi32>
      %shift_right_logical3A_1107 = arith.shrui %add3A_1094, %shift_right_logical3A_1106 : vector<16xi32>
      %add3A_1108 = arith.addi %mul3A_1104, %shift_right_logical3A_1107 : vector<16xi32>
      %swap3A_1109 = arith.constant 4 : i32
      %swap3A_1110 = arith.index_cast %swap3A_1109 : i32 to index
      %swap3A_1111 = arith.constant 64 : index
      %swap3A_1112 = tpu.vector_load %arg7[%swap3A_1110, %swap3A_1111] {strides = array<i32>} : memref<5x128xi32, #tpu.memory_space<vmem>>, vector<1x16xi32>,
      %swap3A_1113 = vector.shape_cast %swap3A_1112 : vector<1x16xi32> to vector<16xi32>
      %swap3A_1114 = vector.shape_cast %add3A_1108 : vector<16xi32> to vector<1x16xi32>
      tpu.vector_store %arg7[%swap3A_1110, %swap3A_1111], %swap3A_1114 {strides = array<i32>} : memref<5x128xi32, #tpu.memory_space<vmem>>, vector<1x16xi32>,
      %mul3A_1115 = arith.constant 128 : i32
      %mul3A_1116 = arith.muli %add3A_979, %mul3A_1115 : i32
      %add3A_1117 = arith.addi %multiple_of3A, %mul3A_1116 : i32
      %add3A_1118 = arith.constant 80 : i32
      %add3A_1119 = arith.addi %add3A_1117, %add3A_1118 : i32
      %add3A_1120 = vector.broadcast %add3A_1119 : i32 to vector<16xi32>
      %add3A_1121 = arith.addi %add3A_1120, %iota3A : vector<16xi32>
      %mul3A_1122 = arith.constant 128 : i32
      %mul3A_1123 = arith.muli %add3A_979, %mul3A_1122 : i32
      %add3A_1124 = arith.constant 80 : i32
      %add3A_1125 = arith.addi %mul3A_1123, %add3A_1124 : i32
      %get3A_1126 = arith.index_cast %add3A_1125 : i32 to index
      %get3A_1127 = tpu.vector_load %arg6[%get3A_1126] {strides = array<i32>} : memref<16000xi32, #tpu.memory_space<vmem>>, vector<16xi32>,
      %get3A_1128 = vector.shape_cast %get3A_1127 : vector<16xi32> to vector<16xi32>
      %mul3A_1129 = arith.constant 125 : i32
      %mul3A_1130 = vector.broadcast %mul3A_1129 : i32 to vector<16xi32>
      %mul3A_1131 = arith.muli %get3A_1128, %mul3A_1130 : vector<16xi32>
      %shift_right_logical3A_1132 = arith.constant 12 : i32
      %shift_right_logical3A_1133 = vector.broadcast %shift_right_logical3A_1132 : i32 to vector<16xi32>
      %shift_right_logical3A_1134 = arith.shrui %add3A_1121, %shift_right_logical3A_1133 : vector<16xi32>
      %add3A_1135 = arith.addi %mul3A_1131, %shift_right_logical3A_1134 : vector<16xi32>
      %swap3A_1136 = arith.constant 4 : i32
      %swap3A_1137 = arith.index_cast %swap3A_1136 : i32 to index
      %swap3A_1138 = arith.constant 80 : index
      %swap3A_1139 = tpu.vector_load %arg7[%swap3A_1137, %swap3A_1138] {strides = array<i32>} : memref<5x128xi32, #tpu.memory_space<vmem>>, vector<1x16xi32>,
      %swap3A_1140 = vector.shape_cast %swap3A_1139 : vector<1x16xi32> to vector<16xi32>
      %swap3A_1141 = vector.shape_cast %add3A_1135 : vector<16xi32> to vector<1x16xi32>
      tpu.vector_store %arg7[%swap3A_1137, %swap3A_1138], %swap3A_1141 {strides = array<i32>} : memref<5x128xi32, #tpu.memory_space<vmem>>, vector<1x16xi32>,
      %mul3A_1142 = arith.constant 128 : i32
      %mul3A_1143 = arith.muli %add3A_979, %mul3A_1142 : i32
      %add3A_1144 = arith.addi %multiple_of3A, %mul3A_1143 : i32
      %add3A_1145 = arith.constant 96 : i32
      %add3A_1146 = arith.addi %add3A_1144, %add3A_1145 : i32
      %add3A_1147 = vector.broadcast %add3A_1146 : i32 to vector<16xi32>
      %add3A_1148 = arith.addi %add3A_1147, %iota3A : vector<16xi32>
      %mul3A_1149 = arith.constant 128 : i32
      %mul3A_1150 = arith.muli %add3A_979, %mul3A_1149 : i32
      %add3A_1151 = arith.constant 96 : i32
      %add3A_1152 = arith.addi %mul3A_1150, %add3A_1151 : i32
      %get3A_1153 = arith.index_cast %add3A_1152 : i32 to index
      %get3A_1154 = tpu.vector_load %arg6[%get3A_1153] {strides = array<i32>} : memref<16000xi32, #tpu.memory_space<vmem>>, vector<16xi32>,
      %get3A_1155 = vector.shape_cast %get3A_1154 : vector<16xi32> to vector<16xi32>
      %mul3A_1156 = arith.constant 125 : i32
      %mul3A_1157 = vector.broadcast %mul3A_1156 : i32 to vector<16xi32>
      %mul3A_1158 = arith.muli %get3A_1155, %mul3A_1157 : vector<16xi32>
      %shift_right_logical3A_1159 = arith.constant 12 : i32
      %shift_right_logical3A_1160 = vector.broadcast %shift_right_logical3A_1159 : i32 to vector<16xi32>
      %shift_right_logical3A_1161 = arith.shrui %add3A_1148, %shift_right_logical3A_1160 : vector<16xi32>
      %add3A_1162 = arith.addi %mul3A_1158, %shift_right_logical3A_1161 : vector<16xi32>
      %swap3A_1163 = arith.constant 4 : i32
      %swap3A_1164 = arith.index_cast %swap3A_1163 : i32 to index
      %swap3A_1165 = arith.constant 96 : index
      %swap3A_1166 = tpu.vector_load %arg7[%swap3A_1164, %swap3A_1165] {strides = array<i32>} : memref<5x128xi32, #tpu.memory_space<vmem>>, vector<1x16xi32>,
      %swap3A_1167 = vector.shape_cast %swap3A_1166 : vector<1x16xi32> to vector<16xi32>
      %swap3A_1168 = vector.shape_cast %add3A_1162 : vector<16xi32> to vector<1x16xi32>
      tpu.vector_store %arg7[%swap3A_1164, %swap3A_1165], %swap3A_1168 {strides = array<i32>} : memref<5x128xi32, #tpu.memory_space<vmem>>, vector<1x16xi32>,
      %mul3A_1169 = arith.constant 128 : i32
      %mul3A_1170 = arith.muli %add3A_979, %mul3A_1169 : i32
      %add3A_1171 = arith.addi %multiple_of3A, %mul3A_1170 : i32
      %add3A_1172 = arith.constant 112 : i32
      %add3A_1173 = arith.addi %add3A_1171, %add3A_1172 : i32
      %add3A_1174 = vector.broadcast %add3A_1173 : i32 to vector<16xi32>
      %add3A_1175 = arith.addi %add3A_1174, %iota3A : vector<16xi32>
      %mul3A_1176 = arith.constant 128 : i32
      %mul3A_1177 = arith.muli %add3A_979, %mul3A_1176 : i32
      %add3A_1178 = arith.constant 112 : i32
      %add3A_1179 = arith.addi %mul3A_1177, %add3A_1178 : i32
      %get3A_1180 = arith.index_cast %add3A_1179 : i32 to index
      %get3A_1181 = tpu.vector_load %arg6[%get3A_1180] {strides = array<i32>} : memref<16000xi32, #tpu.memory_space<vmem>>, vector<16xi32>,
      %get3A_1182 = vector.shape_cast %get3A_1181 : vector<16xi32> to vector<16xi32>
      %mul3A_1183 = arith.constant 125 : i32
      %mul3A_1184 = vector.broadcast %mul3A_1183 : i32 to vector<16xi32>
      %mul3A_1185 = arith.muli %get3A_1182, %mul3A_1184 : vector<16xi32>
      %shift_right_logical3A_1186 = arith.constant 12 : i32
      %shift_right_logical3A_1187 = vector.broadcast %shift_right_logical3A_1186 : i32 to vector<16xi32>
      %shift_right_logical3A_1188 = arith.shrui %add3A_1175, %shift_right_logical3A_1187 : vector<16xi32>
      %add3A_1189 = arith.addi %mul3A_1185, %shift_right_logical3A_1188 : vector<16xi32>
      %swap3A_1190 = arith.constant 4 : i32
      %swap3A_1191 = arith.index_cast %swap3A_1190 : i32 to index
      %swap3A_1192 = arith.constant 112 : index
      %swap3A_1193 = tpu.vector_load %arg7[%swap3A_1191, %swap3A_1192] {strides = array<i32>} : memref<5x128xi32, #tpu.memory_space<vmem>>, vector<1x16xi32>,
      %swap3A_1194 = vector.shape_cast %swap3A_1193 : vector<1x16xi32> to vector<16xi32>
      %swap3A_1195 = vector.shape_cast %add3A_1189 : vector<16xi32> to vector<1x16xi32>
      tpu.vector_store %arg7[%swap3A_1191, %swap3A_1192], %swap3A_1195 {strides = array<i32>} : memref<5x128xi32, #tpu.memory_space<vmem>>, vector<1x16xi32>,
      %dma_start3A_1196 = arith.constant 4 : i32
      %dma_start3A_1197 = arith.constant 512 : i32
      %dma_start3A_1198 = arith.constant 0 : i32
      %dma_start3A_1199 = tpu.memref_slice %arg8[%dma_start3A_1197, %dma_start3A_1198] : memref<640x128xf32, #tpu.memory_space<vmem>> -> memref<128x128xf32, #tpu.memory_space<vmem>>
      %dma_start3A_1200 = arith.constant 0 : i32
      %dma_start3A_1201 = tpu.memref_slice %arg7[%dma_start3A_1196, %dma_start3A_1200] : memref<5x128xi32, #tpu.memory_space<vmem>> -> memref<1x128xi32, #tpu.memory_space<vmem>>
      %dma_start3A_1202 = tpu.memref_squeeze %dma_start3A_1201 : memref<1x128xi32, #tpu.memory_space<vmem>> -> memref<128xi32, #tpu.memory_space<vmem>>
      %dma_start3A_1203 = arith.constant 0 : i32
      %dma_start3A_1204 = arith.constant 0 : i32
      %dma_start3A_1205 = tpu.memref_slice %arg5[%dma_start3A_1203, %dma_start3A_1204] : memref<3625x128xf32, #tpu.memory_space<vmem_shared>> -> memref<3625x128xf32, #tpu.memory_space<vmem_shared>>
      tpu.enqueue_indirect_dma source(%dma_start3A_1205 : memref<3625x128xf32, #tpu.memory_space<vmem_shared>>) target(%dma_start3A_1199 : memref<128x128xf32, #tpu.memory_space<vmem>>) offsets(%dma_start3A_1202 : memref<128xi32, #tpu.memory_space<vmem>>) semaphore(%arg13 : memref<!tpu.dma_semaphore, #tpu.memory_space<semaphore_mem>>)
      %dma_wait3A_1206 = arith.constant 0 : i32
      %dma_wait3A_1207 = arith.constant 0 : i32
      %dma_wait3A_1208 = arith.constant 0 : i32
      %dma_wait3A_1209 = tpu.memref_slice %arg8[%dma_wait3A_1207, %dma_wait3A_1208] : memref<640x128xf32, #tpu.memory_space<vmem>> -> memref<128x128xf32, #tpu.memory_space<vmem>>
      %dma_wait3A_1210 = arith.constant 0 : i32
      %dma_wait3A_1211 = tpu.memref_slice %arg7[%dma_wait3A_1206, %dma_wait3A_1210] : memref<5x128xi32, #tpu.memory_space<vmem>> -> memref<1x128xi32, #tpu.memory_space<vmem>>
      %dma_wait3A_1212 = tpu.memref_squeeze %dma_wait3A_1211 : memref<1x128xi32, #tpu.memory_space<vmem>> -> memref<128xi32, #tpu.memory_space<vmem>>
      %dma_wait3A_1213 = arith.constant 0 : i32
      %dma_wait3A_1214 = arith.constant 0 : i32
      %dma_wait3A_1215 = tpu.memref_slice %arg5[%dma_wait3A_1213, %dma_wait3A_1214] : memref<3625x128xf32, #tpu.memory_space<vmem_shared>> -> memref<3625x128xf32, #tpu.memory_space<vmem_shared>>
      tpu.wait_indirect_dma semaphore(%arg9 : memref<!tpu.dma_semaphore, #tpu.memory_space<semaphore_mem>>) src(%dma_wait3A_1215 : memref<3625x128xf32, #tpu.memory_space<vmem_shared>>) dst(%dma_wait3A_1209 : memref<128x128xf32, #tpu.memory_space<vmem>>)
      %dma_wait3A_1216 = arith.constant 1 : i32
      %dma_wait3A_1217 = arith.constant 128 : i32
      %dma_wait3A_1218 = arith.constant 0 : i32
      %dma_wait3A_1219 = tpu.memref_slice %arg8[%dma_wait3A_1217, %dma_wait3A_1218] : memref<640x128xf32, #tpu.memory_space<vmem>> -> memref<128x128xf32, #tpu.memory_space<vmem>>
      %dma_wait3A_1220 = arith.constant 0 : i32
      %dma_wait3A_1221 = tpu.memref_slice %arg7[%dma_wait3A_1216, %dma_wait3A_1220] : memref<5x128xi32, #tpu.memory_space<vmem>> -> memref<1x128xi32, #tpu.memory_space<vmem>>
      %dma_wait3A_1222 = tpu.memref_squeeze %dma_wait3A_1221 : memref<1x128xi32, #tpu.memory_space<vmem>> -> memref<128xi32, #tpu.memory_space<vmem>>
      %dma_wait3A_1223 = arith.constant 0 : i32
      %dma_wait3A_1224 = arith.constant 0 : i32
      %dma_wait3A_1225 = tpu.memref_slice %arg5[%dma_wait3A_1223, %dma_wait3A_1224] : memref<3625x128xf32, #tpu.memory_space<vmem_shared>> -> memref<3625x128xf32, #tpu.memory_space<vmem_shared>>
      tpu.wait_indirect_dma semaphore(%arg10 : memref<!tpu.dma_semaphore, #tpu.memory_space<semaphore_mem>>) src(%dma_wait3A_1225 : memref<3625x128xf32, #tpu.memory_space<vmem_shared>>) dst(%dma_wait3A_1219 : memref<128x128xf32, #tpu.memory_space<vmem>>)
      %mul3A_1226 = arith.constant 5 : i32
      %mul3A_1227 = arith.muli %scan3A_45, %mul3A_1226 : i32
      %add3A_1228 = arith.constant 0 : i32
      %add3A_1229 = arith.addi %mul3A_1227, %add3A_1228 : i32
      %mul3A_1230 = arith.constant 128 : i32
      %mul3A_1231 = arith.muli %add3A_1229, %mul3A_1230 : i32
      %add3A_1232 = arith.addi %multiple_of3A, %mul3A_1231 : i32
      %multiple_of3A_1233 = tpu.assume_multiple %add3A_1232, 8 : i32
      %dma_start3A_1234 = arith.constant 0 : i32
      %dma_start3A_1235 = arith.constant 0 : i32
      %dma_start3A_1236 = tpu.memref_slice %arg8[%dma_start3A_1234, %dma_start3A_1235] : memref<640x128xf32, #tpu.memory_space<vmem>> -> memref<256x128xf32, #tpu.memory_space<vmem>>
      %dma_start3A_1237 = arith.constant 0 : i32
      %dma_start3A_1238 = tpu.memref_slice %arg4[%multiple_of3A_1233, %dma_start3A_1237] : memref<512000x128xf32, #tpu.memory_space<hbm>> -> memref<256x128xf32, #tpu.memory_space<hbm>>
      %dma_start3A_1239 = arith.constant 0 : i32
      %dma_start3A_1240 = tpu.memref_slice %arg4[%multiple_of3A_1233, %dma_start3A_1239] : memref<512000x128xf32, #tpu.memory_space<hbm>> -> memref<256x128xf32, #tpu.memory_space<hbm>>
      %dma_start3A_1241 = arith.constant 0 : i32
      %dma_start3A_1242 = arith.constant 0 : i32
      %dma_start3A_1243 = tpu.memref_slice %arg8[%dma_start3A_1241, %dma_start3A_1242] : memref<640x128xf32, #tpu.memory_space<vmem>> -> memref<256x128xf32, #tpu.memory_space<vmem>>
      tpu.enqueue_dma source(%dma_start3A_1243 : memref<256x128xf32, #tpu.memory_space<vmem>>) target(%dma_start3A_1240 : memref<256x128xf32, #tpu.memory_space<hbm>>) target_semaphore(%arg14 : memref<!tpu.dma_semaphore, #tpu.memory_space<semaphore_mem>>)
      %dma_wait3A_1244 = arith.constant 2 : i32
      %dma_wait3A_1245 = arith.constant 256 : i32
      %dma_wait3A_1246 = arith.constant 0 : i32
      %dma_wait3A_1247 = tpu.memref_slice %arg8[%dma_wait3A_1245, %dma_wait3A_1246] : memref<640x128xf32, #tpu.memory_space<vmem>> -> memref<128x128xf32, #tpu.memory_space<vmem>>
      %dma_wait3A_1248 = arith.constant 0 : i32
      %dma_wait3A_1249 = tpu.memref_slice %arg7[%dma_wait3A_1244, %dma_wait3A_1248] : memref<5x128xi32, #tpu.memory_space<vmem>> -> memref<1x128xi32, #tpu.memory_space<vmem>>
      %dma_wait3A_1250 = tpu.memref_squeeze %dma_wait3A_1249 : memref<1x128xi32, #tpu.memory_space<vmem>> -> memref<128xi32, #tpu.memory_space<vmem>>
      %dma_wait3A_1251 = arith.constant 0 : i32
      %dma_wait3A_1252 = arith.constant 0 : i32
      %dma_wait3A_1253 = tpu.memref_slice %arg5[%dma_wait3A_1251, %dma_wait3A_1252] : memref<3625x128xf32, #tpu.memory_space<vmem_shared>> -> memref<3625x128xf32, #tpu.memory_space<vmem_shared>>
      tpu.wait_indirect_dma semaphore(%arg11 : memref<!tpu.dma_semaphore, #tpu.memory_space<semaphore_mem>>) src(%dma_wait3A_1253 : memref<3625x128xf32, #tpu.memory_space<vmem_shared>>) dst(%dma_wait3A_1247 : memref<128x128xf32, #tpu.memory_space<vmem>>)
      %dma_wait3A_1254 = arith.constant 3 : i32
      %dma_wait3A_1255 = arith.constant 384 : i32
      %dma_wait3A_1256 = arith.constant 0 : i32
      %dma_wait3A_1257 = tpu.memref_slice %arg8[%dma_wait3A_1255, %dma_wait3A_1256] : memref<640x128xf32, #tpu.memory_space<vmem>> -> memref<128x128xf32, #tpu.memory_space<vmem>>
      %dma_wait3A_1258 = arith.constant 0 : i32
      %dma_wait3A_1259 = tpu.memref_slice %arg7[%dma_wait3A_1254, %dma_wait3A_1258] : memref<5x128xi32, #tpu.memory_space<vmem>> -> memref<1x128xi32, #tpu.memory_space<vmem>>
      %dma_wait3A_1260 = tpu.memref_squeeze %dma_wait3A_1259 : memref<1x128xi32, #tpu.memory_space<vmem>> -> memref<128xi32, #tpu.memory_space<vmem>>
      %dma_wait3A_1261 = arith.constant 0 : i32
      %dma_wait3A_1262 = arith.constant 0 : i32
      %dma_wait3A_1263 = tpu.memref_slice %arg5[%dma_wait3A_1261, %dma_wait3A_1262] : memref<3625x128xf32, #tpu.memory_space<vmem_shared>> -> memref<3625x128xf32, #tpu.memory_space<vmem_shared>>
      tpu.wait_indirect_dma semaphore(%arg12 : memref<!tpu.dma_semaphore, #tpu.memory_space<semaphore_mem>>) src(%dma_wait3A_1263 : memref<3625x128xf32, #tpu.memory_space<vmem_shared>>) dst(%dma_wait3A_1257 : memref<128x128xf32, #tpu.memory_space<vmem>>)
      %mul3A_1264 = arith.constant 5 : i32
      %mul3A_1265 = arith.muli %scan3A_45, %mul3A_1264 : i32
      %add3A_1266 = arith.constant 2 : i32
      %add3A_1267 = arith.addi %mul3A_1265, %add3A_1266 : i32
      %mul3A_1268 = arith.constant 128 : i32
      %mul3A_1269 = arith.muli %add3A_1267, %mul3A_1268 : i32
      %add3A_1270 = arith.addi %multiple_of3A, %mul3A_1269 : i32
      %multiple_of3A_1271 = tpu.assume_multiple %add3A_1270, 8 : i32
      %dma_start3A_1272 = arith.constant 256 : i32
      %dma_start3A_1273 = arith.constant 0 : i32
      %dma_start3A_1274 = tpu.memref_slice %arg8[%dma_start3A_1272, %dma_start3A_1273] : memref<640x128xf32, #tpu.memory_space<vmem>> -> memref<256x128xf32, #tpu.memory_space<vmem>>
      %dma_start3A_1275 = arith.constant 0 : i32
      %dma_start3A_1276 = tpu.memref_slice %arg4[%multiple_of3A_1271, %dma_start3A_1275] : memref<512000x128xf32, #tpu.memory_space<hbm>> -> memref<256x128xf32, #tpu.memory_space<hbm>>
      %dma_start3A_1277 = arith.constant 0 : i32
      %dma_start3A_1278 = tpu.memref_slice %arg4[%multiple_of3A_1271, %dma_start3A_1277] : memref<512000x128xf32, #tpu.memory_space<hbm>> -> memref<256x128xf32, #tpu.memory_space<hbm>>
      %dma_start3A_1279 = arith.constant 256 : i32
      %dma_start3A_1280 = arith.constant 0 : i32
      %dma_start3A_1281 = tpu.memref_slice %arg8[%dma_start3A_1279, %dma_start3A_1280] : memref<640x128xf32, #tpu.memory_space<vmem>> -> memref<256x128xf32, #tpu.memory_space<vmem>>
      tpu.enqueue_dma source(%dma_start3A_1281 : memref<256x128xf32, #tpu.memory_space<vmem>>) target(%dma_start3A_1278 : memref<256x128xf32, #tpu.memory_space<hbm>>) target_semaphore(%arg15 : memref<!tpu.dma_semaphore, #tpu.memory_space<semaphore_mem>>)
      %dma_wait3A_1282 = arith.constant 4 : i32
      %dma_wait3A_1283 = arith.constant 512 : i32
      %dma_wait3A_1284 = arith.constant 0 : i32
      %dma_wait3A_1285 = tpu.memref_slice %arg8[%dma_wait3A_1283, %dma_wait3A_1284] : memref<640x128xf32, #tpu.memory_space<vmem>> -> memref<128x128xf32, #tpu.memory_space<vmem>>
      %dma_wait3A_1286 = arith.constant 0 : i32
      %dma_wait3A_1287 = tpu.memref_slice %arg7[%dma_wait3A_1282, %dma_wait3A_1286] : memref<5x128xi32, #tpu.memory_space<vmem>> -> memref<1x128xi32, #tpu.memory_space<vmem>>
      %dma_wait3A_1288 = tpu.memref_squeeze %dma_wait3A_1287 : memref<1x128xi32, #tpu.memory_space<vmem>> -> memref<128xi32, #tpu.memory_space<vmem>>
      %dma_wait3A_1289 = arith.constant 0 : i32
      %dma_wait3A_1290 = arith.constant 0 : i32
      %dma_wait3A_1291 = tpu.memref_slice %arg5[%dma_wait3A_1289, %dma_wait3A_1290] : memref<3625x128xf32, #tpu.memory_space<vmem_shared>> -> memref<3625x128xf32, #tpu.memory_space<vmem_shared>>
      tpu.wait_indirect_dma semaphore(%arg13 : memref<!tpu.dma_semaphore, #tpu.memory_space<semaphore_mem>>) src(%dma_wait3A_1291 : memref<3625x128xf32, #tpu.memory_space<vmem_shared>>) dst(%dma_wait3A_1285 : memref<128x128xf32, #tpu.memory_space<vmem>>)
      %mul3A_1292 = arith.constant 5 : i32
      %mul3A_1293 = arith.muli %scan3A_45, %mul3A_1292 : i32
      %add3A_1294 = arith.constant 4 : i32
      %add3A_1295 = arith.addi %mul3A_1293, %add3A_1294 : i32
      %mul3A_1296 = arith.constant 128 : i32
      %mul3A_1297 = arith.muli %add3A_1295, %mul3A_1296 : i32
      %add3A_1298 = arith.addi %multiple_of3A, %mul3A_1297 : i32
      %multiple_of3A_1299 = tpu.assume_multiple %add3A_1298, 8 : i32
      %dma_start3A_1300 = arith.constant 512 : i32
      %dma_start3A_1301 = arith.constant 0 : i32
      %dma_start3A_1302 = tpu.memref_slice %arg8[%dma_start3A_1300, %dma_start3A_1301] : memref<640x128xf32, #tpu.memory_space<vmem>> -> memref<128x128xf32, #tpu.memory_space<vmem>>
      %dma_start3A_1303 = arith.constant 0 : i32
      %dma_start3A_1304 = tpu.memref_slice %arg4[%multiple_of3A_1299, %dma_start3A_1303] : memref<512000x128xf32, #tpu.memory_space<hbm>> -> memref<128x128xf32, #tpu.memory_space<hbm>>
      %dma_start3A_1305 = arith.constant 0 : i32
      %dma_start3A_1306 = tpu.memref_slice %arg4[%multiple_of3A_1299, %dma_start3A_1305] : memref<512000x128xf32, #tpu.memory_space<hbm>> -> memref<128x128xf32, #tpu.memory_space<hbm>>
      %dma_start3A_1307 = arith.constant 512 : i32
      %dma_start3A_1308 = arith.constant 0 : i32
      %dma_start3A_1309 = tpu.memref_slice %arg8[%dma_start3A_1307, %dma_start3A_1308] : memref<640x128xf32, #tpu.memory_space<vmem>> -> memref<128x128xf32, #tpu.memory_space<vmem>>
      tpu.enqueue_dma source(%dma_start3A_1309 : memref<128x128xf32, #tpu.memory_space<vmem>>) target(%dma_start3A_1306 : memref<128x128xf32, #tpu.memory_space<hbm>>) target_semaphore(%arg16 : memref<!tpu.dma_semaphore, #tpu.memory_space<semaphore_mem>>)
    }
    %scan3A_9 = arith.constant 25 : i32
    %dma_wait3A = arith.constant 0 : i32
    %dma_wait3A_10 = arith.constant 0 : i32
    %dma_wait3A_11 = tpu.memref_slice %arg8[%dma_wait3A, %dma_wait3A_10] : memref<640x128xf32, #tpu.memory_space<vmem>> -> memref<256x128xf32, #tpu.memory_space<vmem>>
    %dma_wait3A_12 = arith.constant 0 : i32
    %dma_wait3A_13 = arith.constant 0 : i32
    %dma_wait3A_14 = tpu.memref_slice %arg4[%dma_wait3A_12, %dma_wait3A_13] : memref<512000x128xf32, #tpu.memory_space<hbm>> -> memref<256x128xf32, #tpu.memory_space<hbm>>
    %dma_wait3A_15 = arith.constant 0 : i32
    %dma_wait3A_16 = arith.constant 0 : i32
    %dma_wait3A_17 = tpu.memref_slice %arg4[%dma_wait3A_15, %dma_wait3A_16] : memref<512000x128xf32, #tpu.memory_space<hbm>> -> memref<256x128xf32, #tpu.memory_space<hbm>>
    %dma_wait3A_18 = arith.constant 0 : i32
    %dma_wait3A_19 = arith.constant 0 : i32
    %dma_wait3A_20 = tpu.memref_slice %arg8[%dma_wait3A_18, %dma_wait3A_19] : memref<640x128xf32, #tpu.memory_space<vmem>> -> memref<256x128xf32, #tpu.memory_space<vmem>>
    tpu.wait_dma2 semaphore(%arg14 : memref<!tpu.dma_semaphore, #tpu.memory_space<semaphore_mem>>) src(%dma_wait3A_20 : memref<256x128xf32, #tpu.memory_space<vmem>>) dst(%dma_wait3A_17 : memref<256x128xf32, #tpu.memory_space<hbm>>)
    %dma_wait3A_21 = arith.constant 256 : i32
    %dma_wait3A_22 = arith.constant 0 : i32
    %dma_wait3A_23 = tpu.memref_slice %arg8[%dma_wait3A_21, %dma_wait3A_22] : memref<640x128xf32, #tpu.memory_space<vmem>> -> memref<256x128xf32, #tpu.memory_space<vmem>>
    %dma_wait3A_24 = arith.constant 0 : i32
    %dma_wait3A_25 = arith.constant 0 : i32
    %dma_wait3A_26 = tpu.memref_slice %arg4[%dma_wait3A_24, %dma_wait3A_25] : memref<512000x128xf32, #tpu.memory_space<hbm>> -> memref<256x128xf32, #tpu.memory_space<hbm>>
    %dma_wait3A_27 = arith.constant 0 : i32
    %dma_wait3A_28 = arith.constant 0 : i32
    %dma_wait3A_29 = tpu.memref_slice %arg4[%dma_wait3A_27, %dma_wait3A_28] : memref<512000x128xf32, #tpu.memory_space<hbm>> -> memref<256x128xf32, #tpu.memory_space<hbm>>
    %dma_wait3A_30 = arith.constant 256 : i32
    %dma_wait3A_31 = arith.constant 0 : i32
    %dma_wait3A_32 = tpu.memref_slice %arg8[%dma_wait3A_30, %dma_wait3A_31] : memref<640x128xf32, #tpu.memory_space<vmem>> -> memref<256x128xf32, #tpu.memory_space<vmem>>
    tpu.wait_dma2 semaphore(%arg15 : memref<!tpu.dma_semaphore, #tpu.memory_space<semaphore_mem>>) src(%dma_wait3A_32 : memref<256x128xf32, #tpu.memory_space<vmem>>) dst(%dma_wait3A_29 : memref<256x128xf32, #tpu.memory_space<hbm>>)
    %dma_wait3A_33 = arith.constant 512 : i32
    %dma_wait3A_34 = arith.constant 0 : i32
    %dma_wait3A_35 = tpu.memref_slice %arg8[%dma_wait3A_33, %dma_wait3A_34] : memref<640x128xf32, #tpu.memory_space<vmem>> -> memref<128x128xf32, #tpu.memory_space<vmem>>
    %dma_wait3A_36 = arith.constant 0 : i32
    %dma_wait3A_37 = arith.constant 0 : i32
    %dma_wait3A_38 = tpu.memref_slice %arg4[%dma_wait3A_36, %dma_wait3A_37] : memref<512000x128xf32, #tpu.memory_space<hbm>> -> memref<128x128xf32, #tpu.memory_space<hbm>>
    %dma_wait3A_39 = arith.constant 0 : i32
    %dma_wait3A_40 = arith.constant 0 : i32
    %dma_wait3A_41 = tpu.memref_slice %arg4[%dma_wait3A_39, %dma_wait3A_40] : memref<512000x128xf32, #tpu.memory_space<hbm>> -> memref<128x128xf32, #tpu.memory_space<hbm>>
    %dma_wait3A_42 = arith.constant 512 : i32
    %dma_wait3A_43 = arith.constant 0 : i32
    %dma_wait3A_44 = tpu.memref_slice %arg8[%dma_wait3A_42, %dma_wait3A_43] : memref<640x128xf32, #tpu.memory_space<vmem>> -> memref<128x128xf32, #tpu.memory_space<vmem>>
    tpu.wait_dma2 semaphore(%arg16 : memref<!tpu.dma_semaphore, #tpu.memory_space<semaphore_mem>>) src(%dma_wait3A_44 : memref<128x128xf32, #tpu.memory_space<vmem>>) dst(%dma_wait3A_41 : memref<128x128xf32, #tpu.memory_space<hbm>>)
    return
  }
}

module attributes {stable_mosaic.version = 14 : i64} {
  func.func @_prep_body(%arg0: memref<4096x128xf32, #tpu.memory_space<vmem>>, %arg1: memref<4096x128xf32, #tpu.memory_space<vmem>>, %arg2: memref<125x128xf32, #tpu.memory_space<vmem>>, %arg3: memref<29x128xf32, #tpu.memory_space<vmem>>, %arg4: memref<3x128xf32, #tpu.memory_space<vmem>>, %arg5: memref<29x125x128xf32, #tpu.memory_space<vmem>>, %arg6: memref<4096x128xf32, #tpu.memory_space<vmem>>, %arg7: memref<4096x128xf32, #tpu.memory_space<vmem>>) attributes {dimension_semantics = [], scalar_prefetch = 0 : i64, scratch_operands = 0 : i64, tpu.core_type = #tpu.core_type<tc>} {
    %get3A = arith.constant 2 : index
    %get3A_0 = arith.constant 0 : index
    %get3A_1 = vector.load %arg4[%get3A, %get3A_0] : memref<3x128xf32, #tpu.memory_space<vmem>>, vector<1x128xf32>
    %get3A_2 = vector.shape_cast %get3A_1 : vector<1x128xf32> to vector<128xf32>
    %get3A_3 = arith.constant 0 : index
    %get3A_4 = arith.constant 0 : index
    %get3A_5 = vector.load %arg3[%get3A_3, %get3A_4] : memref<29x128xf32, #tpu.memory_space<vmem>>, vector<29x128xf32>
    %broadcast_in_dim3A = vector.shape_cast %get3A_5 : vector<29x128xf32> to vector<29x1x128xf32>
    %get3A_6 = arith.constant 0 : index
    %get3A_7 = arith.constant 0 : index
    %get3A_8 = vector.load %arg2[%get3A_6, %get3A_7] : memref<125x128xf32, #tpu.memory_space<vmem>>, vector<125x128xf32>
    %broadcast_in_dim3A_9 = vector.shape_cast %get3A_8 : vector<125x128xf32> to vector<1x125x128xf32>
    %add3A = vector.broadcast %broadcast_in_dim3A : vector<29x1x128xf32> to vector<29x125x128xf32>
    %add3A_10 = vector.broadcast %broadcast_in_dim3A_9 : vector<1x125x128xf32> to vector<29x125x128xf32>
    %add3A_11 = arith.addf %add3A, %add3A_10 : vector<29x125x128xf32>
    %broadcast_in_dim3A_12 = vector.shape_cast %get3A_2 : vector<128xf32> to vector<1x1x128xf32>
    %add3A_13 = vector.broadcast %broadcast_in_dim3A_12 : vector<1x1x128xf32> to vector<29x125x128xf32>
    %add3A_14 = arith.addf %add3A_11, %add3A_13 : vector<29x125x128xf32>
    %swap3A = arith.constant 0 : index
    %swap3A_15 = arith.constant 0 : index
    %swap3A_16 = arith.constant 0 : index
    %swap3A_17 = vector.load %arg5[%swap3A, %swap3A_15, %swap3A_16] : memref<29x125x128xf32, #tpu.memory_space<vmem>>, vector<29x125x128xf32>
    tpu.vector_store %arg5[%swap3A, %swap3A_15, %swap3A_16], %add3A_14 {strides = array<i32>} : memref<29x125x128xf32, #tpu.memory_space<vmem>>, vector<29x125x128xf32>,
    %get3A_18 = arith.constant 0 : index
    %get3A_19 = arith.constant 0 : index
    %get3A_20 = vector.load %arg0[%get3A_18, %get3A_19] : memref<4096x128xf32, #tpu.memory_space<vmem>>, vector<4096x128xf32>
    %get3A_21 = arith.constant 0 : index
    %get3A_22 = arith.constant 0 : index
    %get3A_23 = vector.load %arg4[%get3A_21, %get3A_22] : memref<3x128xf32, #tpu.memory_space<vmem>>, vector<1x128xf32>
    %get3A_24 = vector.shape_cast %get3A_23 : vector<1x128xf32> to vector<128xf32>
    %broadcast_in_dim3A_25 = vector.shape_cast %get3A_24 : vector<128xf32> to vector<1x128xf32>
    %add3A_26 = vector.broadcast %broadcast_in_dim3A_25 : vector<1x128xf32> to vector<4096x128xf32>
    %add3A_27 = arith.addf %get3A_20, %add3A_26 : vector<4096x128xf32>
    %swap3A_28 = arith.constant 0 : index
    %swap3A_29 = arith.constant 0 : index
    %swap3A_30 = vector.load %arg6[%swap3A_28, %swap3A_29] : memref<4096x128xf32, #tpu.memory_space<vmem>>, vector<4096x128xf32>
    tpu.vector_store %arg6[%swap3A_28, %swap3A_29], %add3A_27 {strides = array<i32>} : memref<4096x128xf32, #tpu.memory_space<vmem>>, vector<4096x128xf32>,
    %get3A_31 = arith.constant 0 : index
    %get3A_32 = arith.constant 0 : index
    %get3A_33 = vector.load %arg1[%get3A_31, %get3A_32] : memref<4096x128xf32, #tpu.memory_space<vmem>>, vector<4096x128xf32>
    %get3A_34 = arith.constant 1 : index
    %get3A_35 = arith.constant 0 : index
    %get3A_36 = vector.load %arg4[%get3A_34, %get3A_35] : memref<3x128xf32, #tpu.memory_space<vmem>>, vector<1x128xf32>
    %get3A_37 = vector.shape_cast %get3A_36 : vector<1x128xf32> to vector<128xf32>
    %broadcast_in_dim3A_38 = vector.shape_cast %get3A_37 : vector<128xf32> to vector<1x128xf32>
    %add3A_39 = vector.broadcast %broadcast_in_dim3A_38 : vector<1x128xf32> to vector<4096x128xf32>
    %add3A_40 = arith.addf %get3A_33, %add3A_39 : vector<4096x128xf32>
    %swap3A_41 = arith.constant 0 : index
    %swap3A_42 = arith.constant 0 : index
    %swap3A_43 = vector.load %arg7[%swap3A_41, %swap3A_42] : memref<4096x128xf32, #tpu.memory_space<vmem>>, vector<4096x128xf32>
    tpu.vector_store %arg7[%swap3A_41, %swap3A_42], %add3A_40 {strides = array<i32>} : memref<4096x128xf32, #tpu.memory_space<vmem>>, vector<4096x128xf32>,
    return
  }
}

</mosaic_0001>

<sc_bundles>
// kernel: kernel.4.cloned.1.call-start
scs
__scs_entry_jumppad:
0x0: {  	(pc) =	sbr.rel $0x88, $3  }
0x1: {  	(tag) =	ssettag $0x0;
	lr =	simm.s32 $0x1  }
0x2: {  	[smem:$0x3F9B] =	sst lr;
	_ =	strace $0xD0000000  }
0x3: {  	_ = 	snop  }
0x4: {  	_ = 	snop  }
0x5: {  	_ = 	snop  }
0x6: {  	_ = 	snop  }
0x7: {  	_ = 	snop  }
__scs_overlays_trampoline_lowered:
0x8: {  	[smem:$0x3FAA] =	sst s0  }
0x9: {  	[smem:$0x3FAB] =	sst s1  }
0xa: {  	[smem:$0x3FAC] =	sst s2  }
0xb: {  	[smem:$0x3FAD] =	sst s3  }
0xc: {  	[smem:$0x3FAE] =	sst s4  }
0xd: {  	[smem:$0x3FAF] =	sst s5  }
0xe: {  	[smem:$0x3FB0] =	sst s6  }
0xf: {  	[smem:$0x3FB1] =	sst s7  }
0x10: {  	[smem:$0x3FB2] =	sst s8  }
0x11: {  	[smem:$0x3FB3] =	sst s9;
	s0 =	simm.s32 @!p0 $0x0  }
0x12: {  	s1 =	sld [smem:$0x3F99];
	s0 =	simm.s32 @p0 $0x1  }
0x13: {  	[smem:$0x3FB4] =	sst s0;
	s0 =	simm.s32 @!p1 $0x0  }
0x14: {  	s2 =	sld [smem:$0x3F98];
	s0 =	simm.s32 @p1 $0x1  }
0x15: {  	[smem:$0x3FB5] =	sst s0;
	s0 =	simm.s32 @!p2 $0x0  }
0x16: {  	s3 =	sld [smem:$0x3FDB];
	s0 =	simm.s32 @p2 $0x1  }
0x17: {  	s4 =	simm.s32 $0x1BF5;
	[smem:$0x3FB7] =	sst s0  }
0x18: {  	s0 =	sld [smem:$0x3F9A];
	_ =	swait.ge [sflag:s4], $0x0  }
0x19: {  	s7 =	sld [smem:$0x3F9B]  }
0x1a: {  	s8 =	sadd.s32 $0xFFFFE003, lr  }
0x1b: {  	s9 =	sadd.s32 $0xFFFFFEF7, lr;
	s5 =	simm.s32 $0xFFFFFFFF;
	p2 =	slt.u32 s8, $0xFFFFF086  }
0x1c: {  	p1 =	slt.u32 s9, $0xF7A;
	s5 =	simm.s32 @!p2 $0x0  }
0x1d: {  	s5 =	simm.s32 @p1 $0x1;
	p0 =	seq.s32 s7, s2  }
0x1e: {  	s7 =	smul.u32 @!p0 $0xF7A, s2;
	p2 =	seq.s32 @!p0 s5, $0x0  }
0x1f: {  	s9 =	smul.u32 $0xF7A, s1;
	s8 =	simm.s32 @!p0 $0x1BF5;
	p2 =	por !p2, p0  }
0x20: {  	[sflag:s8] =	ssyncset.s32 @!p0 $0xFFFFF086;
	s6 =	sadd.s32 @!p0 s3, s7;
	s7 =	simm.s32 @!p0 $0x108  }
0x21: {  	s3 =	sadd.s32 s3, s9;
	s6 =	sadd.s32 @!p0 $0x88, s6;
	s7 =	simm.s32 @p2 $0x1082  }
0x22: {  	[simem:s7], [sflag:s8] =	dma.local @!p0 [hbm:s6], $0xF7A  }
0x23: {  	s9 =	sor.u32 $0xD0000000, s2;
	s6 =	simm.s32 $0x108;
	_ =	swait.ge @!p0 [sflag:s8], $0x0  }
0x24: {  	s3 =	sadd.s32 $0x88, s3;
	s6 =	simm.s32 @!p1 $0x1082;
	[sflag:s4] =	ssyncset.s32 $0xFFFFF086  }
0x25: {  	[simem:s6], [sflag:s4] =	dma.local [hbm:s3], $0xF7A  }
0x26: {  	[smem:$0x3F9B] =	sst s1;
	(tag) =	ssettag s2;
	_ =	strace s9  }
0x27: {  	s1 =	sld [smem:$0x3FAB]  }
0x28: {  	s2 =	sld [smem:$0x3FAC]  }
0x29: {  	s4 =	sld [smem:$0x3FAE]  }
0x2a: {  	p0 =	seq.s32 s5, $0x0;
	s5 =	sld [smem:$0x3FAF]  }
0x2b: {  	s6 =	sld [smem:$0x3FB0]  }
0x2c: {  	s7 =	sld [smem:$0x3FB1]  }
0x2d: {  	s3 =	simm.s32 $0x108;
	s8 =	sld [smem:$0x3FB2]  }
0x2e: {  	s3 =	simm.s32 @!p0 $0x1082;
	s9 =	sld [smem:$0x3FB3]  }
0x2f: {  	lr =	sadd.s32 s0, s3;
	s0 =	sld [smem:$0x3FAA]  }
0x30: {  	s3 =	sld [smem:$0x3FAD]  }
0x31: {  	[smem:$0x3FB6] =	sst s10  }
0x32: {  	s10 =	sld [smem:$0x3FB4];
	_ =	sdelay $0x3  }
0x33: {  	p0 =	seq.s32 s10, $0x1;
	s10 =	sld [smem:$0x3FB6];
	_ =	sdelay $0x3  }
0x34: {  	[smem:$0x3FB6] =	sst s10  }
0x35: {  	s10 =	sld [smem:$0x3FB5];
	_ =	sdelay $0x3  }
0x36: {  	p1 =	seq.s32 s10, $0x1;
	s10 =	sld [smem:$0x3FB6];
	_ =	sdelay $0x3  }
0x37: {  	[smem:$0x3FB6] =	sst s10  }
0x38: {  	s10 =	sld [smem:$0x3FB7]  }
0x39: {  	_ = 	snop;
	(pc) =	sbr.ind lr, $3  }
0x3a: {  	_ = 	snop  }
0x3b: {  	_ = 	snop  }
0x3c: {  	p2 =	seq.s32 s10, $0x1;
	s10 =	sld [smem:$0x3FB6]  }
0x3d: {  	_ =	shalt  }
0x3e: {  	_ =	shalt  }
0x3f: {  	_ =	shalt  }
0x40: {  	_ =	shalt  }
0x41: {  	_ =	shalt  }
0x42: {  	_ =	shalt  }
0x43: {  	_ =	shalt  }
0x44: {  	_ =	shalt  }
0x45: {  	_ =	shalt  }
0x46: {  	_ =	shalt  }
0x47: {  	_ =	shalt  }
0x48: {  	_ =	shalt  }
0x49: {  	_ =	shalt  }
0x4a: {  	_ =	shalt  }
0x4b: {  	_ =	shalt  }
0x4c: {  	_ =	shalt  }
0x4d: {  	_ =	shalt  }
0x4e: {  	_ =	shalt  }
0x4f: {  	_ =	shalt  }
0x50: {  	_ =	shalt  }
0x51: {  	_ =	shalt  }
0x52: {  	_ =	shalt  }
0x53: {  	_ =	shalt  }
0x54: {  	_ =	shalt  }
0x55: {  	_ =	shalt  }
0x56: {  	_ =	shalt  }
0x57: {  	_ =	shalt  }
0x58: {  	_ =	shalt  }
0x59: {  	_ =	shalt  }
0x5a: {  	_ =	shalt  }
0x5b: {  	_ =	shalt  }
0x5c: {  	_ =	shalt  }
0x5d: {  	_ =	shalt  }
0x5e: {  	_ =	shalt  }
0x5f: {  	_ =	shalt  }
0x60: {  	_ =	shalt  }
0x61: {  	_ =	shalt  }
0x62: {  	_ =	shalt  }
0x63: {  	_ =	shalt  }
0x64: {  	_ =	shalt  }
0x65: {  	_ =	shalt  }
0x66: {  	_ =	shalt  }
0x67: {  	_ =	shalt  }
0x68: {  	_ =	shalt  }
0x69: {  	_ =	shalt  }
0x6a: {  	_ =	shalt  }
0x6b: {  	_ =	shalt  }
0x6c: {  	_ =	shalt  }
0x6d: {  	_ =	shalt  }
0x6e: {  	_ =	shalt  }
0x6f: {  	_ =	shalt  }
0x70: {  	_ =	shalt  }
0x71: {  	_ =	shalt  }
0x72: {  	_ =	shalt  }
0x73: {  	_ =	shalt  }
0x74: {  	_ =	shalt  }
0x75: {  	_ =	shalt  }
0x76: {  	_ =	shalt  }
0x77: {  	_ =	shalt  }
0x78: {  	_ =	shalt  }
0x79: {  	_ =	shalt  }
0x7a: {  	_ =	shalt  }
0x7b: {  	_ =	shalt  }
0x7c: {  	_ =	shalt  }
0x7d: {  	_ =	shalt  }
0x7e: {  	_ =	shalt  }
0x7f: {  	_ =	shalt  }
0x80: {  	_ =	shalt  }
0x81: {  	_ =	shalt  }
0x82: {  	_ =	shalt  }
0x83: {  	_ =	shalt  }
0x84: {  	_ =	shalt  }
0x85: {  	_ =	shalt  }
0x86: {  	_ =	shalt  }
0x87: {  	_ =	shalt  }
.Lfunc_end0:
.L_simem_size_0:
called_computation_lowered:
.L_overlay_start_0:
0x88: {  	s2 =	sld [smem:$0x3FD9]  }
0x89: {  	s3 =	sld [smem:$0x3FFE];
	_ =	sdelay $0x1  }
0x8a: {  	s1 =	srdreg.scid  }
0x8b: {  	s0 =	sand.u32 $0x1, s1  }
0x8c: {  	s14 =	sshll.u32 s0, $0xA;
	s2 =	sadd.s32 s3, s2  }
0x8d: {  	s2 =	sadd.s32 s2, s14  }
0x8e: {  	[smem:$0x3FC2] =	sst s2  }
0x8f: {  	_ = 	snop  }
0x90: {  	s2 =	sld [smem:$0x3FD0];
	_ =	sdelay $0x2  }
0x91: {  	s15 =	simm.s32 $0xA;
	s4 =	simm.s32 $0x10  }
0x92: {  	[smem:s4], [sflag:s15] =	dma.local [hbm:s2], $0x1  }
0x93: {  	_ =	swait.eq [sflag:s15], $0x1  }
0x94: {  	[sflag:s15] =	ssyncset.done $0x0  }
0x95: {  	[sflag:s15] =	ssyncadd.s32 $0xFFFFFFFF  }
0x96: {  	s16 =	sld [smem:$0x10];
	(tm) =	ssettm $0x1  }
0x97: {  	s17 =	sld [smem:$0x3FFB];
	_ =	sdelay $0x3  }
0x98: {  	_ =	strace s17  }
0x99: {  	s3 =	sld [smem:$0x3FFC];
	_ =	sdelay $0x3  }
0x9a: {  	_ =	strace s3  }
0x9b: {  	s3 =	sld [smem:$0x3FFD];
	_ =	sdelay $0x3  }
0x9c: {  	_ =	strace s3  }
0x9d: {  	_ =	strace $0x8FFFFFFF  }
0x9e: {  	s18 =	sld [smem:$0x3FDB];
	_ =	sdelay $0x1  }
0x9f: {  	s19 =	simm.s32 $_scs_section_size  }
0xa0: {  	s5 =	simm.s32 $_size__tile_overlayer_lowered;
	s6 =	simm.s32 $_tile_overlayer_lowered  }
0xa1: {  	s22 =	simm.s32 $0x1BFF;
	s21 =	sshll.u32 s6, $0x1;
	s3 =	sadd.s32 s19, s18  }
0xa2: {  	s7 =	simm.s32 $0x0;
	s20 =	sshll.u32 s5, $0x1;
	s5 =	sadd.s32 s21, s3  }
0xa3: {  	[timem:s7], [sflag:s22] =	dma.local [hbm:s5], s20  }
0xa4: {  	_ =	swait.ge [sflag:s22], s20  }
0xa5: {  	s4 =	ssub.s32 $0x0, s20;
	[sflag:s22] =	ssyncset.done $0x0  }
0xa6: {  	[sflag:s22] =	ssyncadd.s32 s4;
	_ =	sdelay $0x1  }
0xa7: {  	s23 =	simm.s32 $0x1B8B  }
0xa8: {  	_ =	swait.ge [sflag:s23], $0x1  }
0xa9: {  	[sflag:s23] =	ssyncset.done $0x0  }
0xaa: {  	s25 =	simm.s32 $0x1B8E;
	s24 =	sld [smem:$0x3FFE];
	[sflag:s23] =	ssyncadd.s32 $0xFFFFFFFF  }
0xab: {  	s26 =	simm.s32 $execute0_lowered;
	[smem:$0x3FD2] =	sst s25  }
0xac: {  	s5 =	sshll.u32 s26, $0x1;
	_ =	strace $0x80000046;
	[dreg:$0x1] =	wrdreg $0xFFFFFFFF  }
0xad: {  	s28 =	simm.s32 $_size_execute0_lowered;
	s3 =	sadd.s32 s3, s5;
	[dreg:$0x0] =	wrdreg $0x0  }
0xae: {  	s5 =	sshll.u32 s28, $0x1;
	[dreg:$0x2] =	wrdreg s3  }
0xaf: {  	[dreg:$0x3] =	wrdreg s5  }
0xb0: {  	[dreg:$0x4] =	wrdreg $0xC0  }
0xb1: {  	_ =	task [dreg:s7], $0x5FFFF  }
0xb2: {  	[dreg:$0x1] =	wrdreg $0xFFFFFFFF  }
0xb3: {  	[dreg:$0x0] =	wrdreg $0x60  }
0xb4: {  	[dreg:$0x2] =	wrdreg s24  }
0xb5: {  	[dreg:$0x3] =	wrdreg s16  }
0xb6: {  	[dreg:$0x4] =	wrdreg $0x0  }
0xb7: {  	[dreg:$0x5] =	wrdreg $0x9  }
0xb8: {  	_ =	task.clear_ibuf [dreg:s7], $0x6FFFF;
	_ =	strace $0x90000046  }
0xb9: {  	s29 =	simm.s32 $0x9;
	_ =	strace $0x80000048  }
0xba: {  	_ =	swait.ge [sflag:s29], $0x1  }
0xbb: {  	[sflag:s29] =	ssyncadd.s32 $0xFFFFFFFF  }
0xbc: {  	_ =	strace $0x90000048  }
0xbd: {  	_ =	sfence  }
0xbe: {  	s30 =	sld [smem:$0x0];
	_ =	sdelay $0x2  }
0xbf: {  	s31 =	sshll.u32 s1, $0xD;
	s1 =	sshrl.u32 s1, $0x2  }
0xc0: {  	s3 =	sand.u32 $0x4000, s31;
	s1 =	sadd.s32 s1, s30  }
0xc1: {  	s0 =	sor.u32 s3, s0;
	s1 =	sshll.u32 s1, $0x11  }
0xc2: {  	s0 =	sor.u32 s1, s0  }
0xc3: {  	s0 =	sadd.s32 $0x8F2B, s0  }
0xc4: {  	[sflag:s0] =	ssyncadd.remote.s32 $0x1  }
0xc5: {  	_ =	sfence.sel $0xFFFF  }
0xc6: {  	[dreg:$0x0] =	wrdreg $0xFFFFFFFF;
	(pc) =	sbr.abs _section_cstart, $3  }
0xc7: {  	[dreg:$0x1] =	wrdreg $0xFFFFFFFF  }
0xc8: {  	_ =	task.clear_ibuf [dreg:s7], $0x2FFFF;
	_ =	strace $0x9FFFFFFF  }
0xc9: {  	(tm) =	ssettm $0x7FFFFFFF  }
tec
execute0_lowered:
.L_overlay_start_1:
0x0: {  	(tag) =	ssettag $0x1  }
0x1: {  	s0 =	rddreg [dreg:$0x0]  }
0x2: {  	s1 =	srdreg.scid;
	s7 =	stileid.u32  }
0x3: {  	s5 =	rddreg [dreg:$0x1];
	s31 =	simm.s32 $0xAFC8;
	s13 =	simm.s32 $0xF3C8  }
0x4: {  	s14 =	simm.s32 $0xB0C8;
	s15 =	simm.s32 $0x133C8;
	s16 =	simm.s32 $0xB148  }
0x5: {  	s17 =	simm.s32 $0x173C8;
	s18 =	simm.s32 $0xB1C8;
	s19 =	simm.s32 $0x1B3C8  }
0x6: {  	s20 =	simm.s32 $0x1;
	s21 =	simm.s32 $0x2;
	s22 =	simm.s32 $0x3  }
0x7: {  	s23 =	simm.s32 $0x4;
	s28 =	simm.s32 $0x8;
	s29 =	simm.s32 $0x0  }
0x8: {  	s4 =	sand.u32 $0x1, s1;
	s2 =	sshll.u32 s7, $0x1;
	s8 =	smul.u32 $0x7D000, s7  }
0x9: {  	s1 =	rddreg [dreg:$0x2];
	s24 =	sadd.s32 $0x10800, s0;
	s11 =	smul.u32 $0x7D00, s7  }
0xa: {  	p0 =	sne.s32 s7, $0x0;
	s3 =	sor.u32 s4, s2;
	s9 =	smul.u32 $0x3E800, s4  }
0xb: {  	s2 =	simm.s32 $0x0;
	s10 =	ssub.s32 $0x2, s4;
	s12 =	smul.u32 $0x3E80, s4  }
0xc: {  	s7 =	sshrl.u32 @!p0 s1, $0x3;
	s6 =	smul.u32 $0x3E80, s3;
	[smem:$0x7FF] =	sst s2  }
0xd: {  	s25 =	sshrl.u32 s10, $0x1;
	_ =	strace $0x80000047;
	[dreg:$0x6] =	wrdreg s24  }
0xe: {  	s26 =	sadd.s32 s8, s5;
	s30 =	sadd.s32 s12, s11;
	[dreg:$0x5] =	wrdreg s31  }
0xf: {  	s11 =	simm.s32 $0xB3C8;
	s12 =	simm.s32 $0xB048;
	s6 =	sshrl.u32 s6, $0x3  }
0x10: {  	s24 =	simm.s32 $0x5;
	[dreg:$0x4] =	wrdreg s30;
	s0 =	sadd.s32 s6, s0  }
0x11: {  	s6 =	ssub.s32 s10, s25;
	s10 =	simm.s32 $0x80;
	s25 =	simm.s32 $0x6  }
0x12: {  	s4 =	sadd.s32 $0xE00, s0;
	s5 =	smax.u32 s6, $0x1;
	s0 =	sadd.s32 s9, s26  }
0x13: {  	s9 =	simm.s32 $0x9;
	s26 =	simm.s32 $0x7;
	s6 =	sadd.s32 $0x2000, s0  }
.LBB2_1:
0x14: {  	s0 =	simm.s32 @!p0 $0x1C09;
	s3 =	rddreg [dreg:$0x6]  }
0x15: {  	[spmem:s7], [sflag:s0] =	dma.local @!p0 [hbm:s3], $0xE290  }
0x16: {  	s0 =	simm.s32 @!p0 $0x9  }
0x17: {  	_ =	swait.ge @!p0 [sflag:s0], $0xE290  }
0x18: {  	[sflag:s0] =	ssyncset.done @!p0 $0x0  }
0x19: {  	s8 =	simm.s32 $0x7148;
	[sflag:s0] =	ssyncadd.s32 @!p0 $0xFFFF1D70  }
0x1a: {  	[tilespmem:s8], [sflag:$0x9] =	stream.linear.gather [hbm4b:s4+s2], $0x3E80, $0x38;
	[tilespmem:$0x1F3C8] =	vst v63  }
0x1b: {  	_ =	swait.ge [sflag:s9], $0x3E80  }
0x1c: {  	[sflag:s9] =	ssyncset.done $0x0  }
0x1d: {  	s30 =	simm.s32 $0x7288;
	[sflag:s9] =	ssyncadd.s32 $0xFFFFC180  }
0x1e: {  	s31 =	smov.u32 s6;
	s0 =	simm.s32 $0x0;
	[bflag:$0x0] =	sbarrier.arrive $0xFFFF  }
.LBB2_2:
0x1f: {  	p1 =	seq.s32 s0, $0x0  }
0x20: {  	s8 =	simm.s32 @!p1 $0x6  }
0x21: {  	_ =	swait.ge @!p1 [sflag:s8], $0x8000  }
0x22: {  	[sflag:s8] =	ssyncset.done @!p1 $0x0  }
0x23: {  	[sflag:s8] =	ssyncadd.s32 @!p1 $0xFFFF8000  }
0x24: {  	v0 =	vld [tilespmem:s30+$0xFFFFFEC0]  }
0x25: {  	s3 =	rddreg [dreg:$0x4]  }
0x26: {  	s8 =	sadd.s32 s0, s3  }
0x27: {  	v1 =	vmov s8  }
0x28: {  	v1 =	vshrl.u32 v1, $0xC  }
0x29: {  	v1 =	vbroadcast v1, $0x0;
	v0 =	vmul.u32 $0x7D, v0;
	_ =	sdelay $0x1  }
0x2a: {  	v0 =	vadd.s32 v1, v0  }
0x2b: {  	[tilespmem:$0xAFC8] =	vst v0  }
0x2c: {  	v0 =	vld [tilespmem:s30+$0xFFFFFED0];
	_ =	sdelay $0x4  }
0x2d: {  	v0 =	vmul.u32 $0x7D, v0;
	_ =	sdelay $0x1  }
0x2e: {  	v0 =	vadd.s32 v1, v0  }
0x2f: {  	[tilespmem:$0xAFD8] =	vst v0  }
0x30: {  	v0 =	vld [tilespmem:s30+$0xFFFFFEE0];
	_ =	sdelay $0x4  }
0x31: {  	v0 =	vmul.u32 $0x7D, v0;
	_ =	sdelay $0x1  }
0x32: {  	v0 =	vadd.s32 v1, v0  }
0x33: {  	[tilespmem:$0xAFE8] =	vst v0  }
0x34: {  	v0 =	vld [tilespmem:s30+$0xFFFFFEF0];
	_ =	sdelay $0x4  }
0x35: {  	v0 =	vmul.u32 $0x7D, v0;
	_ =	sdelay $0x1  }
0x36: {  	v0 =	vadd.s32 v1, v0  }
0x37: {  	[tilespmem:$0xAFF8] =	vst v0  }
0x38: {  	v0 =	vld [tilespmem:s30+$0xFFFFFF00];
	_ =	sdelay $0x4  }
0x39: {  	v0 =	vmul.u32 $0x7D, v0;
	_ =	sdelay $0x1  }
0x3a: {  	v0 =	vadd.s32 v1, v0  }
0x3b: {  	[tilespmem:$0xB008] =	vst v0  }
0x3c: {  	v0 =	vld [tilespmem:s30+$0xFFFFFF10];
	_ =	sdelay $0x4  }
0x3d: {  	v0 =	vmul.u32 $0x7D, v0;
	_ =	sdelay $0x1  }
0x3e: {  	v0 =	vadd.s32 v1, v0  }
0x3f: {  	[tilespmem:$0xB018] =	vst v0  }
0x40: {  	v0 =	vld [tilespmem:s30+$0xFFFFFF20];
	_ =	sdelay $0x4  }
0x41: {  	v0 =	vmul.u32 $0x7D, v0;
	_ =	sdelay $0x1  }
0x42: {  	v0 =	vadd.s32 v1, v0  }
0x43: {  	[tilespmem:$0xB028] =	vst v0  }
0x44: {  	v0 =	vld [tilespmem:s30+$0xFFFFFF30];
	_ =	sdelay $0x4  }
0x45: {  	v0 =	vmul.u32 $0x7D, v0;
	_ =	sdelay $0x1  }
0x46: {  	v0 =	vadd.s32 v1, v0  }
0x47: {  	s3 =	rddreg [dreg:$0x5];
	[tilespmem:$0xB038] =	vst v0  }
0x48: {  	[tilespmem:s11], [sflag:$0x1] =	stream.indirect.gather [spmem:s1], $0x80, s3, s10, $0xb8;
	[tilespmem:$0x1F3C8] =	vst v63  }
0x49: {  	v0 =	vld [tilespmem:s30+$0xFFFFFF40];
	_ =	sdelay $0x1  }
0x4a: {  	s3 =	sadd.s32 $0x80, s8  }
0x4b: {  	v58 =	vmov s3  }
0x4c: {  	v1 =	vshrl.u32 v58, $0xC  }
0x4d: {  	v1 =	vbroadcast v1, $0x0;
	v0 =	vmul.u32 $0x7D, v0;
	_ =	sdelay $0x1  }
0x4e: {  	v0 =	vadd.s32 v1, v0  }
0x4f: {  	[tilespmem:$0xB048] =	vst v0  }
0x50: {  	v0 =	vld [tilespmem:s30+$0xFFFFFF50];
	_ =	sdelay $0x4  }
0x51: {  	v0 =	vmul.u32 $0x7D, v0;
	_ =	sdelay $0x1  }
0x52: {  	v0 =	vadd.s32 v1, v0  }
0x53: {  	[tilespmem:$0xB058] =	vst v0  }
0x54: {  	v0 =	vld [tilespmem:s30+$0xFFFFFF60];
	_ =	sdelay $0x4  }
0x55: {  	v0 =	vmul.u32 $0x7D, v0;
	_ =	sdelay $0x1  }
0x56: {  	v0 =	vadd.s32 v1, v0  }
0x57: {  	[tilespmem:$0xB068] =	vst v0  }
0x58: {  	v0 =	vld [tilespmem:s30+$0xFFFFFF70];
	_ =	sdelay $0x4  }
0x59: {  	v0 =	vmul.u32 $0x7D, v0;
	_ =	sdelay $0x1  }
0x5a: {  	v0 =	vadd.s32 v1, v0  }
0x5b: {  	[tilespmem:$0xB078] =	vst v0  }
0x5c: {  	v0 =	vld [tilespmem:s30+$0xFFFFFF80];
	_ =	sdelay $0x4  }
0x5d: {  	v0 =	vmul.u32 $0x7D, v0;
	_ =	sdelay $0x1  }
0x5e: {  	v0 =	vadd.s32 v1, v0  }
0x5f: {  	[tilespmem:$0xB088] =	vst v0  }
0x60: {  	v0 =	vld [tilespmem:s30+$0xFFFFFF90];
	_ =	sdelay $0x4  }
0x61: {  	v0 =	vmul.u32 $0x7D, v0;
	_ =	sdelay $0x1  }
0x62: {  	v0 =	vadd.s32 v1, v0  }
0x63: {  	[tilespmem:$0xB098] =	vst v0  }
0x64: {  	v0 =	vld [tilespmem:s30+$0xFFFFFFA0];
	_ =	sdelay $0x4  }
0x65: {  	v0 =	vmul.u32 $0x7D, v0;
	_ =	sdelay $0x1  }
0x66: {  	v0 =	vadd.s32 v1, v0  }
0x67: {  	[tilespmem:$0xB0A8] =	vst v0  }
0x68: {  	v0 =	vld [tilespmem:s30+$0xFFFFFFB0];
	_ =	sdelay $0x4  }
0x69: {  	v0 =	vmul.u32 $0x7D, v0;
	_ =	sdelay $0x1  }
0x6a: {  	v0 =	vadd.s32 v1, v0  }
0x6b: {  	s3 =	simm.s32 @!p1 $0x7;
	[tilespmem:$0xB0B8] =	vst v0  }
0x6c: {  	[tilespmem:s13], [sflag:$0x2] =	stream.indirect.gather [spmem:s1], $0x80, s12, s10, $0xb8;
	[tilespmem:$0x1F3C8] =	vst v63  }
0x6d: {  	_ =	swait.ge @!p1 [sflag:s3], $0x8000  }
0x6e: {  	[sflag:s3] =	ssyncset.done @!p1 $0x0  }
0x6f: {  	[sflag:s3] =	ssyncadd.s32 @!p1 $0xFFFF8000  }
0x70: {  	v59 =	vld [tilespmem:s30+$0xFFFFFFC0];
	_ =	sdelay $0x1  }
0x71: {  	s3 =	sadd.s32 $0x100, s8  }
0x72: {  	v60 =	vmov s3  }
0x73: {  	v1 =	vshrl.u32 v60, $0xC  }
0x74: {  	v1 =	vbroadcast v1, $0x0;
	v0 =	vmul.u32 $0x7D, v59;
	_ =	sdelay $0x1  }
0x75: {  	v0 =	vadd.s32 v1, v0  }
0x76: {  	[tilespmem:$0xB0C8] =	vst v0  }
0x77: {  	v0 =	vld [tilespmem:s30+$0xFFFFFFD0];
	_ =	sdelay $0x4  }
0x78: {  	v0 =	vmul.u32 $0x7D, v0;
	_ =	sdelay $0x1  }
0x79: {  	v0 =	vadd.s32 v1, v0  }
0x7a: {  	[tilespmem:$0xB0D8] =	vst v0  }
0x7b: {  	v0 =	vld [tilespmem:s30+$0xFFFFFFE0];
	_ =	sdelay $0x4  }
0x7c: {  	v0 =	vmul.u32 $0x7D, v0;
	_ =	sdelay $0x1  }
0x7d: {  	v0 =	vadd.s32 v1, v0  }
0x7e: {  	[tilespmem:$0xB0E8] =	vst v0  }
0x7f: {  	v0 =	vld [tilespmem:s30+$0xFFFFFFF0];
	_ =	sdelay $0x4  }
0x80: {  	v0 =	vmul.u32 $0x7D, v0;
	_ =	sdelay $0x1  }
0x81: {  	v0 =	vadd.s32 v1, v0  }
0x82: {  	[tilespmem:$0xB0F8] =	vst v0  }
0x83: {  	v0 =	vld [tilespmem:s30+$0x0];
	_ =	sdelay $0x4  }
0x84: {  	v0 =	vmul.u32 $0x7D, v0;
	_ =	sdelay $0x1  }
0x85: {  	v0 =	vadd.s32 v1, v0  }
0x86: {  	[tilespmem:$0xB108] =	vst v0  }
0x87: {  	v0 =	vld [tilespmem:s30+$0x10];
	_ =	sdelay $0x4  }
0x88: {  	v0 =	vmul.u32 $0x7D, v0;
	_ =	sdelay $0x1  }
0x89: {  	v0 =	vadd.s32 v1, v0  }
0x8a: {  	[tilespmem:$0xB118] =	vst v0  }
0x8b: {  	v0 =	vld [tilespmem:s30+$0x20];
	_ =	sdelay $0x4  }
0x8c: {  	v0 =	vmul.u32 $0x7D, v0;
	_ =	sdelay $0x1  }
0x8d: {  	v0 =	vadd.s32 v1, v0  }
0x8e: {  	[tilespmem:$0xB128] =	vst v0  }
0x8f: {  	v0 =	vld [tilespmem:s30+$0x30];
	_ =	sdelay $0x4  }
0x90: {  	v0 =	vmul.u32 $0x7D, v0;
	_ =	sdelay $0x1  }
0x91: {  	v0 =	vadd.s32 v1, v0  }
0x92: {  	[tilespmem:$0xB138] =	vst v0  }
0x93: {  	[tilespmem:s15], [sflag:$0x3] =	stream.indirect.gather [spmem:s1], $0x80, s14, s10, $0xb8;
	[tilespmem:$0x1F3C8] =	vst v63  }
0x94: {  	v0 =	vld [tilespmem:s30+$0x40];
	_ =	sdelay $0x1  }
0x95: {  	s3 =	sadd.s32 $0x180, s8  }
0x96: {  	v61 =	vmov s3  }
0x97: {  	v1 =	vshrl.u32 v61, $0xC  }
0x98: {  	v1 =	vbroadcast v1, $0x0;
	v0 =	vmul.u32 $0x7D, v0;
	_ =	sdelay $0x1  }
0x99: {  	v0 =	vadd.s32 v1, v0  }
0x9a: {  	[tilespmem:$0xB148] =	vst v0  }
0x9b: {  	v0 =	vld [tilespmem:s30+$0x50];
	_ =	sdelay $0x4  }
0x9c: {  	v0 =	vmul.u32 $0x7D, v0;
	_ =	sdelay $0x1  }
0x9d: {  	v0 =	vadd.s32 v1, v0  }
0x9e: {  	[tilespmem:$0xB158] =	vst v0  }
0x9f: {  	v0 =	vld [tilespmem:s30+$0x60];
	_ =	sdelay $0x4  }
0xa0: {  	v0 =	vmul.u32 $0x7D, v0;
	_ =	sdelay $0x1  }
0xa1: {  	v0 =	vadd.s32 v1, v0  }
0xa2: {  	[tilespmem:$0xB168] =	vst v0  }
0xa3: {  	v0 =	vld [tilespmem:s30+$0x70];
	_ =	sdelay $0x4  }
0xa4: {  	v0 =	vmul.u32 $0x7D, v0;
	_ =	sdelay $0x1  }
0xa5: {  	v0 =	vadd.s32 v1, v0  }
0xa6: {  	[tilespmem:$0xB178] =	vst v0  }
0xa7: {  	v0 =	vld [tilespmem:s30+$0x80];
	_ =	sdelay $0x4  }
0xa8: {  	v0 =	vmul.u32 $0x7D, v0;
	_ =	sdelay $0x1  }
0xa9: {  	v0 =	vadd.s32 v1, v0  }
0xaa: {  	[tilespmem:$0xB188] =	vst v0  }
0xab: {  	v0 =	vld [tilespmem:s30+$0x90];
	_ =	sdelay $0x4  }
0xac: {  	v0 =	vmul.u32 $0x7D, v0;
	_ =	sdelay $0x1  }
0xad: {  	v0 =	vadd.s32 v1, v0  }
0xae: {  	[tilespmem:$0xB198] =	vst v0  }
0xaf: {  	v0 =	vld [tilespmem:s30+$0xA0];
	_ =	sdelay $0x4  }
0xb0: {  	v0 =	vmul.u32 $0x7D, v0;
	_ =	sdelay $0x1  }
0xb1: {  	v0 =	vadd.s32 v1, v0  }
0xb2: {  	[tilespmem:$0xB1A8] =	vst v0  }
0xb3: {  	v0 =	vld [tilespmem:s30+$0xB0];
	_ =	sdelay $0x4  }
0xb4: {  	v0 =	vmul.u32 $0x7D, v0;
	_ =	sdelay $0x1  }
0xb5: {  	v0 =	vadd.s32 v1, v0  }
0xb6: {  	s3 =	simm.s32 @!p1 $0x8;
	[tilespmem:$0xB1B8] =	vst v0  }
0xb7: {  	[tilespmem:s17], [sflag:$0x4] =	stream.indirect.gather [spmem:s1], $0x80, s16, s10, $0xb8;
	[tilespmem:$0x1F3C8] =	vst v63  }
0xb8: {  	_ =	swait.ge @!p1 [sflag:s3], $0x4000  }
0xb9: {  	[sflag:s3] =	ssyncset.done @!p1 $0x0  }
0xba: {  	[sflag:s3] =	ssyncadd.s32 @!p1 $0xFFFFC000  }
0xbb: {  	v62 =	vld [tilespmem:s30+$0xC0];
	_ =	sdelay $0x1  }
0xbc: {  	s8 =	sadd.s32 $0x200, s8  }
0xbd: {  	v63 =	vmov s8  }
0xbe: {  	v1 =	vshrl.u32 v63, $0xC  }
0xbf: {  	v1 =	vbroadcast v1, $0x0;
	v0 =	vmul.u32 $0x7D, v62;
	_ =	sdelay $0x1  }
0xc0: {  	v0 =	vadd.s32 v1, v0  }
0xc1: {  	[tilespmem:$0xB1C8] =	vst v0  }
0xc2: {  	v0 =	vld [tilespmem:s30+$0xD0];
	_ =	sdelay $0x4  }
0xc3: {  	v0 =	vmul.u32 $0x7D, v0;
	_ =	sdelay $0x1  }
0xc4: {  	v0 =	vadd.s32 v1, v0  }
0xc5: {  	[tilespmem:$0xB1D8] =	vst v0  }
0xc6: {  	v0 =	vld [tilespmem:s30+$0xE0];
	_ =	sdelay $0x4  }
0xc7: {  	v0 =	vmul.u32 $0x7D, v0;
	_ =	sdelay $0x1  }
0xc8: {  	v0 =	vadd.s32 v1, v0  }
0xc9: {  	[tilespmem:$0xB1E8] =	vst v0  }
0xca: {  	v0 =	vld [tilespmem:s30+$0xF0];
	_ =	sdelay $0x4  }
0xcb: {  	v0 =	vmul.u32 $0x7D, v0;
	_ =	sdelay $0x1  }
0xcc: {  	v0 =	vadd.s32 v1, v0  }
0xcd: {  	[tilespmem:$0xB1F8] =	vst v0  }
0xce: {  	v0 =	vld [tilespmem:s30+$0x100];
	_ =	sdelay $0x4  }
0xcf: {  	v0 =	vmul.u32 $0x7D, v0;
	_ =	sdelay $0x1  }
0xd0: {  	v0 =	vadd.s32 v1, v0  }
0xd1: {  	[tilespmem:$0xB208] =	vst v0  }
0xd2: {  	v0 =	vld [tilespmem:s30+$0x110];
	_ =	sdelay $0x4  }
0xd3: {  	v0 =	vmul.u32 $0x7D, v0;
	_ =	sdelay $0x1  }
0xd4: {  	v0 =	vadd.s32 v1, v0  }
0xd5: {  	[tilespmem:$0xB218] =	vst v0  }
0xd6: {  	v0 =	vld [tilespmem:s30+$0x120];
	_ =	sdelay $0x4  }
0xd7: {  	v0 =	vmul.u32 $0x7D, v0;
	_ =	sdelay $0x1  }
0xd8: {  	v0 =	vadd.s32 v1, v0  }
0xd9: {  	[tilespmem:$0xB228] =	vst v0  }
0xda: {  	v0 =	vld [tilespmem:s30+$0x130];
	_ =	sdelay $0x4  }
0xdb: {  	v0 =	vmul.u32 $0x7D, v0;
	_ =	sdelay $0x1  }
0xdc: {  	v0 =	vadd.s32 v1, v0  }
0xdd: {  	[tilespmem:$0xB238] =	vst v0  }
0xde: {  	[tilespmem:s19], [sflag:$0x5] =	stream.indirect.gather [spmem:s1], $0x80, s18, s10, $0xb8;
	[tilespmem:$0x1F3C8] =	vst v63  }
0xdf: {  	_ =	swait.ge [sflag:s20], $0x4000  }
0xe0: {  	[sflag:s20] =	ssyncset.done $0x0  }
0xe1: {  	[sflag:s20] =	ssyncadd.s32 $0xFFFFC000  }
0xe2: {  	_ =	swait.ge [sflag:s21], $0x4000  }
0xe3: {  	[sflag:s21] =	ssyncset.done $0x0  }
0xe4: {  	s8 =	sadd.s32 $0xFFFFE000, s31;
	[sflag:s21] =	ssyncadd.s32 $0xFFFFC000  }
0xe5: {  	[hbm4b:s8+s2] =	stream.linear.scatter [tilespmem:s11], [sflag:$0x6], $0x8000, $0x38;
	[tilespmem:$0x1F3C8] =	vst v63  }
0xe6: {  	_ =	swait.ge [sflag:s22], $0x4000  }
0xe7: {  	[sflag:s22] =	ssyncset.done $0x0  }
0xe8: {  	[sflag:s22] =	ssyncadd.s32 $0xFFFFC000  }
0xe9: {  	_ =	swait.ge [sflag:s23], $0x4000  }
0xea: {  	s0 =	sadd.s32 $0x280, s0;
	[sflag:s23] =	ssyncset.done $0x0  }
0xeb: {  	p1 =	sne.s32 s0, $0x3E80;
	s8 =	sadd.s32 $0xFFFFF000, s31;
	[sflag:s23] =	ssyncadd.s32 $0xFFFFC000  }
0xec: {  	[hbm4b:s8+s2] =	stream.linear.scatter [tilespmem:s15], [sflag:$0x7], $0x8000, $0x38;
	[tilespmem:$0x1F3C8] =	vst v63  }
.Ltmp0:
0xed: {  	_ =	swait.ge [sflag:s24], $0x4000;
	(pc) =	sbr.rel @p1 .LBB2_2-.Ltmp0, $4  }
0xee: {  	[sflag:s24] =	ssyncset.done $0x0  }
0xef: {  	[sflag:s24] =	ssyncadd.s32 $0xFFFFC000  }
0xf0: {  	[hbm4b:s31+s2] =	stream.linear.scatter [tilespmem:s19], [sflag:$0x8], $0x4000, $0x38;
	[tilespmem:$0x1F3C8] =	vst v63  }
0xf1: {  	s30 =	sadd.s32 $0x280, s30;
	s31 =	sadd.s32 $0x2800, s31  }
0xf2: {  	_ =	swait.ge [sflag:s25], $0x8000  }
0xf3: {  	[sflag:s25] =	ssyncset.done $0x0  }
0xf4: {  	s29 =	sadd.s32 $0x1, s29;
	[sflag:s25] =	ssyncadd.s32 $0xFFFF8000  }
0xf5: {  	p1 =	sne.s32 s29, s5;
	_ =	swait.ge [sflag:s26], $0x8000  }
.Ltmp1:
0xf6: {  	[sflag:s26] =	ssyncset.done $0x0;
	(pc) =	sbr.rel @p1 .LBB2_1-.Ltmp1, $4  }
0xf7: {  	[sflag:s26] =	ssyncadd.s32 $0xFFFF8000  }
0xf8: {  	_ =	swait.ge [sflag:s28], $0x4000  }
0xf9: {  	[sflag:s28] =	ssyncset.done $0x0  }
0xfa: {  	[sflag:s28] =	ssyncadd.s32 $0xFFFFC000  }
0xfb: {  	_ =	sfence.sel $0x180000  }
0xfc: {  	[bflag:$0x0] =	sbarrier.arrive $0xFFFF  }
0xfd: {  	_ =	strace $0x90000047  }
0xfe: {  	[bflag:$0x2] =	sbarrier.arrive $0xFFFF  }
0xff: {  	s0 =	rddreg [dreg:$0x3]  }
0x100: {  	s0 =	sadd.s32 @!p0 $0x100000, s0  }
0x101: {  	[sflag:s0] =	ssyncadd.tile.s32 @!p0 $0x1;
	_ =	shalt  }
.Lfunc_end2:
_tile_overlayer_lowered:
.L_overlay_start_2:
0x102: {  	(tag) =	ssettag $0x2  }
0x103: {  	s0 =	rddreg [dreg:$0x0];
	s2 =	stileid.u32  }
0x104: {  	s1 =	rddreg [dreg:$0x1];
	p0 =	sne.s32 s2, $0x0  }
0x105: {  	s3 =	rddreg [dreg:$0x2];
	[bflag:$0x3] =	sbarrier.arrive $0xFFFF;
	s2 =	simm.s32 @!p0 $0x1C09  }
0x106: {  	[timem:s3], [sflag:s2] =	dma.local @!p0 [hbm:s0], s1  }
0x107: {  	s0 =	simm.s32 @!p0 $0x9  }
0x108: {  	_ =	swait.ge @!p0 [sflag:s0], s1  }
0x109: {  	s1 =	ssub.s32 @!p0 $0x0, s1;
	[sflag:s0] =	ssyncset.done @!p0 $0x0  }
0x10a: {  	[sflag:s0] =	ssyncadd.s32 @!p0 s1  }
0x10b: {  	[bflag:$0x3] =	sbarrier.arrive $0xFFFF  }
0x10c: {  	_ =	shalt  }

</sc_bundles>
